<compile_context>
chip_gen: v7x
topology: tpu7x:2x2x1
jax: 0.10.2.dev20260603
libtpu: 0.0.44.dev20260713+nightly
codegen_flags: <defaults>
</compile_context>

<pallas_src>
import functools

import jax
import jax.numpy as jnp
from jax import lax
from jax.experimental import pallas as pl
from jax.experimental.pallas import tpu as pltpu
from jax.experimental.pallas import tpu_sc as plsc

B = 1024
T = 200
V = 100000
D = 64
S = 128
KW = 4


_CHUNK = 128
_NBUF = 10


def _sc_gather(table, idx3d):
    info = plsc.get_sparse_core_info()
    nw = info.num_cores * info.num_subcores
    chunks_per_w = idx3d.shape[1]
    n_rows = nw * chunks_per_w * _CHUNK
    groups = chunks_per_w // _NBUF

    mesh = plsc.VectorSubcoreMesh(core_axis_name="c", subcore_axis_name="s")

    @functools.partial(
        pl.kernel,
        mesh=mesh,
        out_type=jax.ShapeDtypeStruct((n_rows, D), jnp.float32),
        scratch_types=[
            pltpu.VMEM((chunks_per_w, _CHUNK), jnp.int32),
            pltpu.VMEM((_NBUF, _CHUNK, D), jnp.float32),
            pltpu.SemaphoreType.DMA,
            pltpu.SemaphoreType.DMA,
        ],
        compiler_params=pltpu.CompilerParams(use_tc_tiling_on_sc=False),
    )
    def k(table_hbm, idx_hbm, out_hbm, idx_v, rows_v, gsem, osem):
        wid = lax.axis_index("s") * info.num_cores + lax.axis_index("c")
        chunk0 = wid * chunks_per_w
        pltpu.sync_copy(idx_hbm.at[wid], idx_v)

        def group(g, _):
            base = g * _NBUF
            for b in range(_NBUF):
                pltpu.async_copy(
                    table_hbm.at[idx_v.at[base + b]], rows_v.at[b], gsem)
            for b in range(_NBUF):
                pltpu.make_async_copy(
                    table_hbm.at[idx_v.at[base + b]], rows_v.at[b], gsem).wait()
            for b in range(_NBUF):
                row0 = (chunk0 + base + b) * _CHUNK
                pltpu.async_copy(
                    rows_v.at[b], out_hbm.at[pl.ds(row0, _CHUNK)], osem)
            for b in range(_NBUF):
                row0 = (chunk0 + base + b) * _CHUNK
                pltpu.make_async_copy(
                    rows_v.at[b], out_hbm.at[pl.ds(row0, _CHUNK)], osem).wait()
            return ()

        lax.fori_loop(0, groups, group, (), unroll=False)

    return k(table, idx3d)



_BT = 64


def _encoder_body(h_ref, w1_ref, b1_ref, w2_ref, b2_ref, lng_ref, lnb_ref,
                  wg_ref, bg_ref, wr_ref, br_ref, ctx_ref):
    h = h_ref[...]
    x = h.reshape(_BT * T, D)
    ff = jnp.maximum(
        jnp.dot(x, w1_ref[...], preferred_element_type=jnp.float32)
        + b1_ref[...], 0.0)
    ff = jnp.dot(ff, w2_ref[...], preferred_element_type=jnp.float32) \
        + b2_ref[...]
    y = x + ff
    m = y.mean(axis=-1, keepdims=True)
    v = ((y - m) ** 2).mean(axis=-1, keepdims=True)
    hid = (y - m) / jnp.sqrt(v + 1e-5) * lng_ref[...] + lnb_ref[...]

    gate = jnp.dot(hid, wg_ref[...], preferred_element_type=jnp.float32) \
        + bg_ref[...]
    scores = gate.mean(axis=-1).reshape(_BT, T)
    tpos = lax.broadcasted_iota(jnp.int32, (_BT, T), 1)
    neg = jnp.float32(-1e30)
    scores = jnp.where(tpos >= T - 1, neg, scores)

    hid3 = hid.reshape(_BT, T, D)
    q = jnp.dot(hid3[:, T - 1, :], wr_ref[...],
                preferred_element_type=jnp.float32) + br_ref[...]
    hid3t = hid3.astype(jnp.bfloat16).astype(jnp.float32)
    qt = q.astype(jnp.bfloat16).astype(jnp.float32)
    d_all = (hid3t * qt[:, None, :]).sum(axis=-1)

    sel_logit = []
    sel_mask = []
    work = scores
    big = jnp.int32(2 * T)
    for _ in range(KW):
        mx = work.max(axis=1, keepdims=True)
        cand = jnp.where(work == mx, tpos, big)
        pick = cand.min(axis=1, keepdims=True)
        onehot = tpos == pick
        sel_mask.append(onehot)
        sel_logit.append(jnp.where(onehot, d_all, 0.0).sum(axis=1))
        work = jnp.where(onehot, neg, work)

    s = jnp.stack(sel_logit, axis=1)
    mmax = jnp.maximum(s.max(axis=1), 0.0)
    e = jnp.exp(s - mmax[:, None])
    z = e.sum(axis=1) + (S - KW) * jnp.exp(-mmax)
    a = e / z[:, None]

    w_t = jnp.zeros((_BT, T), jnp.float32)
    for kk in range(KW):
        w_t = w_t + jnp.where(sel_mask[kk], a[:, kk:kk + 1], 0.0)
    ctx_ref[...] = (w_t[:, :, None] * hid3).sum(axis=1)


def _encoder(h, w1, b1, w2, b2, ln_g, ln_b, wg, bg, wr, br):
    grid = B // _BT
    full = lambda shape: pl.BlockSpec(shape, lambda i: (0,) * len(shape))
    return pl.pallas_call(
        _encoder_body,
        grid=(grid,),
        in_specs=[
            pl.BlockSpec((_BT, T, D), lambda i: (i, 0, 0)),
            full((D, 2 * D)), full((2 * D,)),
            full((2 * D, D)), full((D,)),
            full((D,)), full((D,)),
            full((D, S)), full((S,)),
            full((D, D)), full((D,)),
        ],
        out_specs=pl.BlockSpec((_BT, D), lambda i: (i, 0)),
        out_shape=jax.ShapeDtypeStruct((B, D), jnp.float32),
    )(h, w1, b1, w2, b2, ln_g, ln_b, wg, bg, wr, br)



_VT = 2048


def _proj_body(ctx_ref, wo_ref, bo_ref, out_ref):
    out_ref[...] = jnp.dot(ctx_ref[...].astype(jnp.bfloat16),
                           wo_ref[...].astype(jnp.bfloat16),
                           preferred_element_type=jnp.float32) + bo_ref[...]


def _projection(ctx, wo, bo2d):
    grid = pl.cdiv(V, _VT)
    return pl.pallas_call(
        _proj_body,
        grid=(grid,),
        in_specs=[
            pl.BlockSpec((B, D), lambda j: (0, 0)),
            pl.BlockSpec((D, _VT), lambda j: (0, j)),
            pl.BlockSpec((1, _VT), lambda j: (0, j)),
        ],
        out_specs=pl.BlockSpec((B, _VT), lambda j: (0, j)),
        out_shape=jax.ShapeDtypeStruct((B, V), jnp.float32),
    )(ctx, wo, bo2d)




def kernel(seq, table, w1, b1, w2, b2, ln_g, ln_b, wg, bg, wr, br, wo, bo):
    idx3d = seq.reshape(32, -1, _CHUNK).astype(jnp.int32)
    h = _sc_gather(table, idx3d)
    ctx = _encoder(h.reshape(B, T, D), w1, b1, w2, b2,
                   ln_g, ln_b, wg, bg, wr, br)
    return _projection(ctx, wo, bo.reshape(1, V))

# --- scband reference (transcript-rebuilt; emitter-appended) ---
"""Pipeline reference for scband-write-first-model-35270271435195 (READ-ONLY COPY).

The authoritative reference and input builder live on the scoring server;
editing this copy changes nothing except your own understanding.
"""

import jax, jax.numpy as jnp
import numpy as np

B = 1024
T = 200
V = 100000
D = 64
S = 128
KW = 4


def _layernorm(x, g, b):
    m = x.mean(axis=-1, keepdims=True)
    v = ((x - m) ** 2).mean(axis=-1, keepdims=True)
    return (x - m) / jnp.sqrt(v + 1e-5) * g + b


def setup_inputs(seed: int = 0) -> dict:
    key = jax.random.key(seed)
    ks = jax.random.split(key, 12)
    s = 0.02
    return {
        "seq": jax.random.randint(ks[0], (B, T), 0, V),
        "table": jax.random.normal(ks[1], (V, D), dtype=jnp.float32) * s,
        "w1": jax.random.normal(ks[2], (D, 2 * D), dtype=jnp.float32) * s,
        "b1": jnp.zeros((2 * D,), dtype=jnp.float32),
        "w2": jax.random.normal(ks[3], (2 * D, D), dtype=jnp.float32) * s,
        "b2": jnp.zeros((D,), dtype=jnp.float32),
        "ln_g": jnp.ones((D,), dtype=jnp.float32),
        "ln_b": jnp.zeros((D,), dtype=jnp.float32),
        "wg": jax.random.normal(ks[4], (D, S), dtype=jnp.float32) * s,
        "bg": jnp.zeros((S,), dtype=jnp.float32),
        "wr": jax.random.normal(ks[5], (D, D), dtype=jnp.float32) * s,
        "br": jnp.zeros((D,), dtype=jnp.float32),
        "wo": jax.random.normal(ks[6], (D, V), dtype=jnp.float32) * s,
        "bo": jnp.zeros((V,), dtype=jnp.float32),
    }


def reference(seq, table, w1, b1, w2, b2, ln_g, ln_b, wg, bg, wr, br, wo, bo):
    # Encoder
    h = jnp.take(table, seq, axis=0)                      # [B, T, D] embedding gather
    ff = jnp.maximum(h @ w1 + b1, 0.0) @ w2 + b2
    hiddens = _layernorm(h + ff, ln_g, ln_b)
    # write_to_memory on context tokens
    ctx_h = hiddens[:, :-1, :]                            # [B, T-1, D]
    gate_scores = (ctx_h @ wg + bg).mean(axis=-1)         # [B, T-1]
    k_w = min(KW, T - 1)
    _, top_idx = jax.lax.top_k(gate_scores, k_w)          # [B, k_w]
    gathered = jnp.take_along_axis(ctx_h, top_idx[:, :, None], axis=1)  # [B, k_w, D]
    slot_idx = jnp.arange(k_w) % S                        # [k_w]
    batch_idx = jnp.arange(B)[:, None]                    # [B, 1]
    mem = jnp.zeros((B, S, D), dtype=hiddens.dtype).at[batch_idx, slot_idx[None, :]].set(gathered)
    # read
    query_h = hiddens[:, -1, :]
    q = query_h @ wr + br                                 # [B, D]
    scores = jnp.einsum('bsd,bd->bs', mem, q)             # [B, S]
    attn = jax.nn.softmax(scores, axis=-1)
    ctx = (attn[:, :, None] * mem).sum(axis=1)            # [B, D]
    return ctx @ wo + bo                                  # [B, V]

if __name__ == "__main__":
    import jax
    _d = setup_inputs()
    print(jax.jit(kernel)(*tuple(_d.values())))

</pallas_src>

<mosaic_0001>
#map = affine_map<(d0, d1) -> (0, 0)>
#map1 = affine_map<(d0, d1) -> (0, 0, 0)>
module attributes {stable_mosaic.version = 14 : i64} {
  func.func @k(%arg0: i32, %arg1: i32, %arg2: memref<100000x64xf32, #tpu.memory_space<hbm>>, %arg3: memref<32x50x128xi32, #tpu.memory_space<hbm>>, %arg4: memref<204800x64xf32, #tpu.memory_space<hbm>>, %arg5: memref<50x128xi32, #tpu.memory_space<vmem>>, %arg6: memref<10x128x64xf32, #tpu.memory_space<vmem>>, %arg7: memref<!tpu.dma_semaphore, #tpu.memory_space<semaphore_mem>>, %arg8: memref<!tpu.dma_semaphore, #tpu.memory_space<semaphore_mem>>) attributes {dimension_semantics = [#tpu.dimension_semantics<core_parallel>, #tpu.dimension_semantics<subcore_parallel>], iteration_bounds = array<i64: 2, 16>, scalar_prefetch = 0 : i64, scratch_operands = 4 : i64, tpu.core_type = #tpu.core_type<sc_vector_subcore>, window_params = [{transform_indices = #map}, {transform_indices = #map1}, {transform_indices = #map}]} {
    %mul3A = arith.constant 2 : i32
    %mul3A_0 = arith.muli %arg1, %mul3A : i32
    %add3A = arith.addi %mul3A_0, %arg0 : i32
    %mul3A_1 = arith.constant 50 : i32
    %mul3A_2 = arith.muli %add3A, %mul3A_1 : i32
    "tpu.region"() ({
      %run_scoped3A = tpu.sem_alloc : memref<!tpu.dma_semaphore, #tpu.memory_space<semaphore_mem>>
      %dma_start3A = arith.constant 0 : i32
      %dma_start3A_7 = arith.constant 0 : i32
      %dma_start3A_8 = tpu.memref_slice %arg3[%add3A, %dma_start3A, %dma_start3A_7] : memref<32x50x128xi32, #tpu.memory_space<hbm>> -> memref<1x50x128xi32, #tpu.memory_space<hbm>>
      %dma_start3A_9 = tpu.memref_squeeze %dma_start3A_8 : memref<1x50x128xi32, #tpu.memory_space<hbm>> -> memref<50x128xi32, #tpu.memory_space<hbm>>
      %dma_start3A_10 = arith.constant 0 : i32
      %dma_start3A_11 = arith.constant 0 : i32
      %dma_start3A_12 = tpu.memref_slice %arg3[%add3A, %dma_start3A_10, %dma_start3A_11] : memref<32x50x128xi32, #tpu.memory_space<hbm>> -> memref<1x50x128xi32, #tpu.memory_space<hbm>>
      %dma_start3A_13 = tpu.memref_squeeze %dma_start3A_12 : memref<1x50x128xi32, #tpu.memory_space<hbm>> -> memref<50x128xi32, #tpu.memory_space<hbm>>
      tpu.enqueue_dma source(%dma_start3A_13 : memref<50x128xi32, #tpu.memory_space<hbm>>) target(%arg5 : memref<50x128xi32, #tpu.memory_space<vmem>>) target_semaphore(%run_scoped3A : memref<!tpu.dma_semaphore, #tpu.memory_space<semaphore_mem>>)
      %dma_wait3A = arith.constant 0 : i32
      %dma_wait3A_14 = arith.constant 0 : i32
      %dma_wait3A_15 = tpu.memref_slice %arg3[%add3A, %dma_wait3A, %dma_wait3A_14] : memref<32x50x128xi32, #tpu.memory_space<hbm>> -> memref<1x50x128xi32, #tpu.memory_space<hbm>>
      %dma_wait3A_16 = tpu.memref_squeeze %dma_wait3A_15 : memref<1x50x128xi32, #tpu.memory_space<hbm>> -> memref<50x128xi32, #tpu.memory_space<hbm>>
      %dma_wait3A_17 = arith.constant 0 : i32
      %dma_wait3A_18 = arith.constant 0 : i32
      %dma_wait3A_19 = tpu.memref_slice %arg3[%add3A, %dma_wait3A_17, %dma_wait3A_18] : memref<32x50x128xi32, #tpu.memory_space<hbm>> -> memref<1x50x128xi32, #tpu.memory_space<hbm>>
      %dma_wait3A_20 = tpu.memref_squeeze %dma_wait3A_19 : memref<1x50x128xi32, #tpu.memory_space<hbm>> -> memref<50x128xi32, #tpu.memory_space<hbm>>
      tpu.wait_dma2 semaphore(%run_scoped3A : memref<!tpu.dma_semaphore, #tpu.memory_space<semaphore_mem>>) src(%dma_wait3A_20 : memref<50x128xi32, #tpu.memory_space<hbm>>) dst(%arg5 : memref<50x128xi32, #tpu.memory_space<vmem>>)
      tpu.yield
    }) : () -> ()
    %scan3A = arith.constant 0 : i32
    %scan3A_3 = arith.constant 5 : i32
    %scan3A_4 = arith.addi %scan3A, %scan3A_3 : i32
    %scan3A_5 = arith.constant 1 : i32
    scf.for %scan3A_7 = %scan3A to %scan3A_4 step %scan3A_5  : i32 {
      %mul3A_8 = arith.constant 10 : i32
      %mul3A_9 = arith.muli %scan3A_7, %mul3A_8 : i32
      %add3A_10 = arith.constant 0 : i32
      %add3A_11 = arith.addi %mul3A_9, %add3A_10 : i32
      %dma_start3A = arith.constant 0 : i32
      %dma_start3A_12 = arith.constant 0 : i32
      %dma_start3A_13 = arith.constant 0 : i32
      %dma_start3A_14 = tpu.memref_slice %arg6[%dma_start3A, %dma_start3A_12, %dma_start3A_13] : memref<10x128x64xf32, #tpu.memory_space<vmem>> -> memref<1x128x64xf32, #tpu.memory_space<vmem>>
      %dma_start3A_15 = tpu.memref_squeeze %dma_start3A_14 : memref<1x128x64xf32, #tpu.memory_space<vmem>> -> memref<128x64xf32, #tpu.memory_space<vmem>>
      %dma_start3A_16 = arith.constant 0 : i32
      %dma_start3A_17 = tpu.memref_slice %arg5[%add3A_11, %dma_start3A_16] : memref<50x128xi32, #tpu.memory_space<vmem>> -> memref<1x128xi32, #tpu.memory_space<vmem>>
      %dma_start3A_18 = tpu.memref_squeeze %dma_start3A_17 : memref<1x128xi32, #tpu.memory_space<vmem>> -> memref<128xi32, #tpu.memory_space<vmem>>
      %dma_start3A_19 = arith.constant 0 : i32
      %dma_start3A_20 = arith.constant 0 : i32
      %dma_start3A_21 = tpu.memref_slice %arg2[%dma_start3A_19, %dma_start3A_20] : memref<100000x64xf32, #tpu.memory_space<hbm>> -> memref<100000x64xf32, #tpu.memory_space<hbm>>
      tpu.enqueue_indirect_dma source(%dma_start3A_21 : memref<100000x64xf32, #tpu.memory_space<hbm>>) target(%dma_start3A_15 : memref<128x64xf32, #tpu.memory_space<vmem>>) offsets(%dma_start3A_18 : memref<128xi32, #tpu.memory_space<vmem>>) semaphore(%arg7 : memref<!tpu.dma_semaphore, #tpu.memory_space<semaphore_mem>>)
      %add3A_22 = arith.constant 1 : i32
      %add3A_23 = arith.addi %mul3A_9, %add3A_22 : i32
      %dma_start3A_24 = arith.constant 1 : i32
      %dma_start3A_25 = arith.constant 0 : i32
      %dma_start3A_26 = arith.constant 0 : i32
      %dma_start3A_27 = tpu.memref_slice %arg6[%dma_start3A_24, %dma_start3A_25, %dma_start3A_26] : memref<10x128x64xf32, #tpu.memory_space<vmem>> -> memref<1x128x64xf32, #tpu.memory_space<vmem>>
      %dma_start3A_28 = tpu.memref_squeeze %dma_start3A_27 : memref<1x128x64xf32, #tpu.memory_space<vmem>> -> memref<128x64xf32, #tpu.memory_space<vmem>>
      %dma_start3A_29 = arith.constant 0 : i32
      %dma_start3A_30 = tpu.memref_slice %arg5[%add3A_23, %dma_start3A_29] : memref<50x128xi32, #tpu.memory_space<vmem>> -> memref<1x128xi32, #tpu.memory_space<vmem>>
      %dma_start3A_31 = tpu.memref_squeeze %dma_start3A_30 : memref<1x128xi32, #tpu.memory_space<vmem>> -> memref<128xi32, #tpu.memory_space<vmem>>
      %dma_start3A_32 = arith.constant 0 : i32
      %dma_start3A_33 = arith.constant 0 : i32
      %dma_start3A_34 = tpu.memref_slice %arg2[%dma_start3A_32, %dma_start3A_33] : memref<100000x64xf32, #tpu.memory_space<hbm>> -> memref<100000x64xf32, #tpu.memory_space<hbm>>
      tpu.enqueue_indirect_dma source(%dma_start3A_34 : memref<100000x64xf32, #tpu.memory_space<hbm>>) target(%dma_start3A_28 : memref<128x64xf32, #tpu.memory_space<vmem>>) offsets(%dma_start3A_31 : memref<128xi32, #tpu.memory_space<vmem>>) semaphore(%arg7 : memref<!tpu.dma_semaphore, #tpu.memory_space<semaphore_mem>>)
      %add3A_35 = arith.constant 2 : i32
      %add3A_36 = arith.addi %mul3A_9, %add3A_35 : i32
      %dma_start3A_37 = arith.constant 2 : i32
      %dma_start3A_38 = arith.constant 0 : i32
      %dma_start3A_39 = arith.constant 0 : i32
      %dma_start3A_40 = tpu.memref_slice %arg6[%dma_start3A_37, %dma_start3A_38, %dma_start3A_39] : memref<10x128x64xf32, #tpu.memory_space<vmem>> -> memref<1x128x64xf32, #tpu.memory_space<vmem>>
      %dma_start3A_41 = tpu.memref_squeeze %dma_start3A_40 : memref<1x128x64xf32, #tpu.memory_space<vmem>> -> memref<128x64xf32, #tpu.memory_space<vmem>>
      %dma_start3A_42 = arith.constant 0 : i32
      %dma_start3A_43 = tpu.memref_slice %arg5[%add3A_36, %dma_start3A_42] : memref<50x128xi32, #tpu.memory_space<vmem>> -> memref<1x128xi32, #tpu.memory_space<vmem>>
      %dma_start3A_44 = tpu.memref_squeeze %dma_start3A_43 : memref<1x128xi32, #tpu.memory_space<vmem>> -> memref<128xi32, #tpu.memory_space<vmem>>
      %dma_start3A_45 = arith.constant 0 : i32
      %dma_start3A_46 = arith.constant 0 : i32
      %dma_start3A_47 = tpu.memref_slice %arg2[%dma_start3A_45, %dma_start3A_46] : memref<100000x64xf32, #tpu.memory_space<hbm>> -> memref<100000x64xf32, #tpu.memory_space<hbm>>
      tpu.enqueue_indirect_dma source(%dma_start3A_47 : memref<100000x64xf32, #tpu.memory_space<hbm>>) target(%dma_start3A_41 : memref<128x64xf32, #tpu.memory_space<vmem>>) offsets(%dma_start3A_44 : memref<128xi32, #tpu.memory_space<vmem>>) semaphore(%arg7 : memref<!tpu.dma_semaphore, #tpu.memory_space<semaphore_mem>>)
      %add3A_48 = arith.constant 3 : i32
      %add3A_49 = arith.addi %mul3A_9, %add3A_48 : i32
      %dma_start3A_50 = arith.constant 3 : i32
      %dma_start3A_51 = arith.constant 0 : i32
      %dma_start3A_52 = arith.constant 0 : i32
      %dma_start3A_53 = tpu.memref_slice %arg6[%dma_start3A_50, %dma_start3A_51, %dma_start3A_52] : memref<10x128x64xf32, #tpu.memory_space<vmem>> -> memref<1x128x64xf32, #tpu.memory_space<vmem>>
      %dma_start3A_54 = tpu.memref_squeeze %dma_start3A_53 : memref<1x128x64xf32, #tpu.memory_space<vmem>> -> memref<128x64xf32, #tpu.memory_space<vmem>>
      %dma_start3A_55 = arith.constant 0 : i32
      %dma_start3A_56 = tpu.memref_slice %arg5[%add3A_49, %dma_start3A_55] : memref<50x128xi32, #tpu.memory_space<vmem>> -> memref<1x128xi32, #tpu.memory_space<vmem>>
      %dma_start3A_57 = tpu.memref_squeeze %dma_start3A_56 : memref<1x128xi32, #tpu.memory_space<vmem>> -> memref<128xi32, #tpu.memory_space<vmem>>
      %dma_start3A_58 = arith.constant 0 : i32
      %dma_start3A_59 = arith.constant 0 : i32
      %dma_start3A_60 = tpu.memref_slice %arg2[%dma_start3A_58, %dma_start3A_59] : memref<100000x64xf32, #tpu.memory_space<hbm>> -> memref<100000x64xf32, #tpu.memory_space<hbm>>
      tpu.enqueue_indirect_dma source(%dma_start3A_60 : memref<100000x64xf32, #tpu.memory_space<hbm>>) target(%dma_start3A_54 : memref<128x64xf32, #tpu.memory_space<vmem>>) offsets(%dma_start3A_57 : memref<128xi32, #tpu.memory_space<vmem>>) semaphore(%arg7 : memref<!tpu.dma_semaphore, #tpu.memory_space<semaphore_mem>>)
      %add3A_61 = arith.constant 4 : i32
      %add3A_62 = arith.addi %mul3A_9, %add3A_61 : i32
      %dma_start3A_63 = arith.constant 4 : i32
      %dma_start3A_64 = arith.constant 0 : i32
      %dma_start3A_65 = arith.constant 0 : i32
      %dma_start3A_66 = tpu.memref_slice %arg6[%dma_start3A_63, %dma_start3A_64, %dma_start3A_65] : memref<10x128x64xf32, #tpu.memory_space<vmem>> -> memref<1x128x64xf32, #tpu.memory_space<vmem>>
      %dma_start3A_67 = tpu.memref_squeeze %dma_start3A_66 : memref<1x128x64xf32, #tpu.memory_space<vmem>> -> memref<128x64xf32, #tpu.memory_space<vmem>>
      %dma_start3A_68 = arith.constant 0 : i32
      %dma_start3A_69 = tpu.memref_slice %arg5[%add3A_62, %dma_start3A_68] : memref<50x128xi32, #tpu.memory_space<vmem>> -> memref<1x128xi32, #tpu.memory_space<vmem>>
      %dma_start3A_70 = tpu.memref_squeeze %dma_start3A_69 : memref<1x128xi32, #tpu.memory_space<vmem>> -> memref<128xi32, #tpu.memory_space<vmem>>
      %dma_start3A_71 = arith.constant 0 : i32
      %dma_start3A_72 = arith.constant 0 : i32
      %dma_start3A_73 = tpu.memref_slice %arg2[%dma_start3A_71, %dma_start3A_72] : memref<100000x64xf32, #tpu.memory_space<hbm>> -> memref<100000x64xf32, #tpu.memory_space<hbm>>
      tpu.enqueue_indirect_dma source(%dma_start3A_73 : memref<100000x64xf32, #tpu.memory_space<hbm>>) target(%dma_start3A_67 : memref<128x64xf32, #tpu.memory_space<vmem>>) offsets(%dma_start3A_70 : memref<128xi32, #tpu.memory_space<vmem>>) semaphore(%arg7 : memref<!tpu.dma_semaphore, #tpu.memory_space<semaphore_mem>>)
      %add3A_74 = arith.constant 5 : i32
      %add3A_75 = arith.addi %mul3A_9, %add3A_74 : i32
      %dma_start3A_76 = arith.constant 5 : i32
      %dma_start3A_77 = arith.constant 0 : i32
      %dma_start3A_78 = arith.constant 0 : i32
      %dma_start3A_79 = tpu.memref_slice %arg6[%dma_start3A_76, %dma_start3A_77, %dma_start3A_78] : memref<10x128x64xf32, #tpu.memory_space<vmem>> -> memref<1x128x64xf32, #tpu.memory_space<vmem>>
      %dma_start3A_80 = tpu.memref_squeeze %dma_start3A_79 : memref<1x128x64xf32, #tpu.memory_space<vmem>> -> memref<128x64xf32, #tpu.memory_space<vmem>>
      %dma_start3A_81 = arith.constant 0 : i32
      %dma_start3A_82 = tpu.memref_slice %arg5[%add3A_75, %dma_start3A_81] : memref<50x128xi32, #tpu.memory_space<vmem>> -> memref<1x128xi32, #tpu.memory_space<vmem>>
      %dma_start3A_83 = tpu.memref_squeeze %dma_start3A_82 : memref<1x128xi32, #tpu.memory_space<vmem>> -> memref<128xi32, #tpu.memory_space<vmem>>
      %dma_start3A_84 = arith.constant 0 : i32
      %dma_start3A_85 = arith.constant 0 : i32
      %dma_start3A_86 = tpu.memref_slice %arg2[%dma_start3A_84, %dma_start3A_85] : memref<100000x64xf32, #tpu.memory_space<hbm>> -> memref<100000x64xf32, #tpu.memory_space<hbm>>
      tpu.enqueue_indirect_dma source(%dma_start3A_86 : memref<100000x64xf32, #tpu.memory_space<hbm>>) target(%dma_start3A_80 : memref<128x64xf32, #tpu.memory_space<vmem>>) offsets(%dma_start3A_83 : memref<128xi32, #tpu.memory_space<vmem>>) semaphore(%arg7 : memref<!tpu.dma_semaphore, #tpu.memory_space<semaphore_mem>>)
      %add3A_87 = arith.constant 6 : i32
      %add3A_88 = arith.addi %mul3A_9, %add3A_87 : i32
      %dma_start3A_89 = arith.constant 6 : i32
      %dma_start3A_90 = arith.constant 0 : i32
      %dma_start3A_91 = arith.constant 0 : i32
      %dma_start3A_92 = tpu.memref_slice %arg6[%dma_start3A_89, %dma_start3A_90, %dma_start3A_91] : memref<10x128x64xf32, #tpu.memory_space<vmem>> -> memref<1x128x64xf32, #tpu.memory_space<vmem>>
      %dma_start3A_93 = tpu.memref_squeeze %dma_start3A_92 : memref<1x128x64xf32, #tpu.memory_space<vmem>> -> memref<128x64xf32, #tpu.memory_space<vmem>>
      %dma_start3A_94 = arith.constant 0 : i32
      %dma_start3A_95 = tpu.memref_slice %arg5[%add3A_88, %dma_start3A_94] : memref<50x128xi32, #tpu.memory_space<vmem>> -> memref<1x128xi32, #tpu.memory_space<vmem>>
      %dma_start3A_96 = tpu.memref_squeeze %dma_start3A_95 : memref<1x128xi32, #tpu.memory_space<vmem>> -> memref<128xi32, #tpu.memory_space<vmem>>
      %dma_start3A_97 = arith.constant 0 : i32
      %dma_start3A_98 = arith.constant 0 : i32
      %dma_start3A_99 = tpu.memref_slice %arg2[%dma_start3A_97, %dma_start3A_98] : memref<100000x64xf32, #tpu.memory_space<hbm>> -> memref<100000x64xf32, #tpu.memory_space<hbm>>
      tpu.enqueue_indirect_dma source(%dma_start3A_99 : memref<100000x64xf32, #tpu.memory_space<hbm>>) target(%dma_start3A_93 : memref<128x64xf32, #tpu.memory_space<vmem>>) offsets(%dma_start3A_96 : memref<128xi32, #tpu.memory_space<vmem>>) semaphore(%arg7 : memref<!tpu.dma_semaphore, #tpu.memory_space<semaphore_mem>>)
      %add3A_100 = arith.constant 7 : i32
      %add3A_101 = arith.addi %mul3A_9, %add3A_100 : i32
      %dma_start3A_102 = arith.constant 7 : i32
      %dma_start3A_103 = arith.constant 0 : i32
      %dma_start3A_104 = arith.constant 0 : i32
      %dma_start3A_105 = tpu.memref_slice %arg6[%dma_start3A_102, %dma_start3A_103, %dma_start3A_104] : memref<10x128x64xf32, #tpu.memory_space<vmem>> -> memref<1x128x64xf32, #tpu.memory_space<vmem>>
      %dma_start3A_106 = tpu.memref_squeeze %dma_start3A_105 : memref<1x128x64xf32, #tpu.memory_space<vmem>> -> memref<128x64xf32, #tpu.memory_space<vmem>>
      %dma_start3A_107 = arith.constant 0 : i32
      %dma_start3A_108 = tpu.memref_slice %arg5[%add3A_101, %dma_start3A_107] : memref<50x128xi32, #tpu.memory_space<vmem>> -> memref<1x128xi32, #tpu.memory_space<vmem>>
      %dma_start3A_109 = tpu.memref_squeeze %dma_start3A_108 : memref<1x128xi32, #tpu.memory_space<vmem>> -> memref<128xi32, #tpu.memory_space<vmem>>
      %dma_start3A_110 = arith.constant 0 : i32
      %dma_start3A_111 = arith.constant 0 : i32
      %dma_start3A_112 = tpu.memref_slice %arg2[%dma_start3A_110, %dma_start3A_111] : memref<100000x64xf32, #tpu.memory_space<hbm>> -> memref<100000x64xf32, #tpu.memory_space<hbm>>
      tpu.enqueue_indirect_dma source(%dma_start3A_112 : memref<100000x64xf32, #tpu.memory_space<hbm>>) target(%dma_start3A_106 : memref<128x64xf32, #tpu.memory_space<vmem>>) offsets(%dma_start3A_109 : memref<128xi32, #tpu.memory_space<vmem>>) semaphore(%arg7 : memref<!tpu.dma_semaphore, #tpu.memory_space<semaphore_mem>>)
      %add3A_113 = arith.constant 8 : i32
      %add3A_114 = arith.addi %mul3A_9, %add3A_113 : i32
      %dma_start3A_115 = arith.constant 8 : i32
      %dma_start3A_116 = arith.constant 0 : i32
      %dma_start3A_117 = arith.constant 0 : i32
      %dma_start3A_118 = tpu.memref_slice %arg6[%dma_start3A_115, %dma_start3A_116, %dma_start3A_117] : memref<10x128x64xf32, #tpu.memory_space<vmem>> -> memref<1x128x64xf32, #tpu.memory_space<vmem>>
      %dma_start3A_119 = tpu.memref_squeeze %dma_start3A_118 : memref<1x128x64xf32, #tpu.memory_space<vmem>> -> memref<128x64xf32, #tpu.memory_space<vmem>>
      %dma_start3A_120 = arith.constant 0 : i32
      %dma_start3A_121 = tpu.memref_slice %arg5[%add3A_114, %dma_start3A_120] : memref<50x128xi32, #tpu.memory_space<vmem>> -> memref<1x128xi32, #tpu.memory_space<vmem>>
      %dma_start3A_122 = tpu.memref_squeeze %dma_start3A_121 : memref<1x128xi32, #tpu.memory_space<vmem>> -> memref<128xi32, #tpu.memory_space<vmem>>
      %dma_start3A_123 = arith.constant 0 : i32
      %dma_start3A_124 = arith.constant 0 : i32
      %dma_start3A_125 = tpu.memref_slice %arg2[%dma_start3A_123, %dma_start3A_124] : memref<100000x64xf32, #tpu.memory_space<hbm>> -> memref<100000x64xf32, #tpu.memory_space<hbm>>
      tpu.enqueue_indirect_dma source(%dma_start3A_125 : memref<100000x64xf32, #tpu.memory_space<hbm>>) target(%dma_start3A_119 : memref<128x64xf32, #tpu.memory_space<vmem>>) offsets(%dma_start3A_122 : memref<128xi32, #tpu.memory_space<vmem>>) semaphore(%arg7 : memref<!tpu.dma_semaphore, #tpu.memory_space<semaphore_mem>>)
      %add3A_126 = arith.constant 9 : i32
      %add3A_127 = arith.addi %mul3A_9, %add3A_126 : i32
      %dma_start3A_128 = arith.constant 9 : i32
      %dma_start3A_129 = arith.constant 0 : i32
      %dma_start3A_130 = arith.constant 0 : i32
      %dma_start3A_131 = tpu.memref_slice %arg6[%dma_start3A_128, %dma_start3A_129, %dma_start3A_130] : memref<10x128x64xf32, #tpu.memory_space<vmem>> -> memref<1x128x64xf32, #tpu.memory_space<vmem>>
      %dma_start3A_132 = tpu.memref_squeeze %dma_start3A_131 : memref<1x128x64xf32, #tpu.memory_space<vmem>> -> memref<128x64xf32, #tpu.memory_space<vmem>>
      %dma_start3A_133 = arith.constant 0 : i32
      %dma_start3A_134 = tpu.memref_slice %arg5[%add3A_127, %dma_start3A_133] : memref<50x128xi32, #tpu.memory_space<vmem>> -> memref<1x128xi32, #tpu.memory_space<vmem>>
      %dma_start3A_135 = tpu.memref_squeeze %dma_start3A_134 : memref<1x128xi32, #tpu.memory_space<vmem>> -> memref<128xi32, #tpu.memory_space<vmem>>
      %dma_start3A_136 = arith.constant 0 : i32
      %dma_start3A_137 = arith.constant 0 : i32
      %dma_start3A_138 = tpu.memref_slice %arg2[%dma_start3A_136, %dma_start3A_137] : memref<100000x64xf32, #tpu.memory_space<hbm>> -> memref<100000x64xf32, #tpu.memory_space<hbm>>
      tpu.enqueue_indirect_dma source(%dma_start3A_138 : memref<100000x64xf32, #tpu.memory_space<hbm>>) target(%dma_start3A_132 : memref<128x64xf32, #tpu.memory_space<vmem>>) offsets(%dma_start3A_135 : memref<128xi32, #tpu.memory_space<vmem>>) semaphore(%arg7 : memref<!tpu.dma_semaphore, #tpu.memory_space<semaphore_mem>>)
      %add3A_139 = arith.constant 0 : i32
      %add3A_140 = arith.addi %mul3A_9, %add3A_139 : i32
      %dma_wait3A = arith.constant 0 : i32
      %dma_wait3A_141 = arith.constant 0 : i32
      %dma_wait3A_142 = arith.constant 0 : i32
      %dma_wait3A_143 = tpu.memref_slice %arg6[%dma_wait3A, %dma_wait3A_141, %dma_wait3A_142] : memref<10x128x64xf32, #tpu.memory_space<vmem>> -> memref<1x128x64xf32, #tpu.memory_space<vmem>>
      %dma_wait3A_144 = tpu.memref_squeeze %dma_wait3A_143 : memref<1x128x64xf32, #tpu.memory_space<vmem>> -> memref<128x64xf32, #tpu.memory_space<vmem>>
      %dma_wait3A_145 = arith.constant 0 : i32
      %dma_wait3A_146 = tpu.memref_slice %arg5[%add3A_140, %dma_wait3A_145] : memref<50x128xi32, #tpu.memory_space<vmem>> -> memref<1x128xi32, #tpu.memory_space<vmem>>
      %dma_wait3A_147 = tpu.memref_squeeze %dma_wait3A_146 : memref<1x128xi32, #tpu.memory_space<vmem>> -> memref<128xi32, #tpu.memory_space<vmem>>
      %dma_wait3A_148 = arith.constant 0 : i32
      %dma_wait3A_149 = arith.constant 0 : i32
      %dma_wait3A_150 = tpu.memref_slice %arg2[%dma_wait3A_148, %dma_wait3A_149] : memref<100000x64xf32, #tpu.memory_space<hbm>> -> memref<100000x64xf32, #tpu.memory_space<hbm>>
      tpu.wait_indirect_dma semaphore(%arg7 : memref<!tpu.dma_semaphore, #tpu.memory_space<semaphore_mem>>) src(%dma_wait3A_150 : memref<100000x64xf32, #tpu.memory_space<hbm>>) dst(%dma_wait3A_144 : memref<128x64xf32, #tpu.memory_space<vmem>>)
      %add3A_151 = arith.constant 1 : i32
      %add3A_152 = arith.addi %mul3A_9, %add3A_151 : i32
      %dma_wait3A_153 = arith.constant 1 : i32
      %dma_wait3A_154 = arith.constant 0 : i32
      %dma_wait3A_155 = arith.constant 0 : i32
      %dma_wait3A_156 = tpu.memref_slice %arg6[%dma_wait3A_153, %dma_wait3A_154, %dma_wait3A_155] : memref<10x128x64xf32, #tpu.memory_space<vmem>> -> memref<1x128x64xf32, #tpu.memory_space<vmem>>
      %dma_wait3A_157 = tpu.memref_squeeze %dma_wait3A_156 : memref<1x128x64xf32, #tpu.memory_space<vmem>> -> memref<128x64xf32, #tpu.memory_space<vmem>>
      %dma_wait3A_158 = arith.constant 0 : i32
      %dma_wait3A_159 = tpu.memref_slice %arg5[%add3A_152, %dma_wait3A_158] : memref<50x128xi32, #tpu.memory_space<vmem>> -> memref<1x128xi32, #tpu.memory_space<vmem>>
      %dma_wait3A_160 = tpu.memref_squeeze %dma_wait3A_159 : memref<1x128xi32, #tpu.memory_space<vmem>> -> memref<128xi32, #tpu.memory_space<vmem>>
      %dma_wait3A_161 = arith.constant 0 : i32
      %dma_wait3A_162 = arith.constant 0 : i32
      %dma_wait3A_163 = tpu.memref_slice %arg2[%dma_wait3A_161, %dma_wait3A_162] : memref<100000x64xf32, #tpu.memory_space<hbm>> -> memref<100000x64xf32, #tpu.memory_space<hbm>>
      tpu.wait_indirect_dma semaphore(%arg7 : memref<!tpu.dma_semaphore, #tpu.memory_space<semaphore_mem>>) src(%dma_wait3A_163 : memref<100000x64xf32, #tpu.memory_space<hbm>>) dst(%dma_wait3A_157 : memref<128x64xf32, #tpu.memory_space<vmem>>)
      %add3A_164 = arith.constant 2 : i32
      %add3A_165 = arith.addi %mul3A_9, %add3A_164 : i32
      %dma_wait3A_166 = arith.constant 2 : i32
      %dma_wait3A_167 = arith.constant 0 : i32
      %dma_wait3A_168 = arith.constant 0 : i32
      %dma_wait3A_169 = tpu.memref_slice %arg6[%dma_wait3A_166, %dma_wait3A_167, %dma_wait3A_168] : memref<10x128x64xf32, #tpu.memory_space<vmem>> -> memref<1x128x64xf32, #tpu.memory_space<vmem>>
      %dma_wait3A_170 = tpu.memref_squeeze %dma_wait3A_169 : memref<1x128x64xf32, #tpu.memory_space<vmem>> -> memref<128x64xf32, #tpu.memory_space<vmem>>
      %dma_wait3A_171 = arith.constant 0 : i32
      %dma_wait3A_172 = tpu.memref_slice %arg5[%add3A_165, %dma_wait3A_171] : memref<50x128xi32, #tpu.memory_space<vmem>> -> memref<1x128xi32, #tpu.memory_space<vmem>>
      %dma_wait3A_173 = tpu.memref_squeeze %dma_wait3A_172 : memref<1x128xi32, #tpu.memory_space<vmem>> -> memref<128xi32, #tpu.memory_space<vmem>>
      %dma_wait3A_174 = arith.constant 0 : i32
      %dma_wait3A_175 = arith.constant 0 : i32
      %dma_wait3A_176 = tpu.memref_slice %arg2[%dma_wait3A_174, %dma_wait3A_175] : memref<100000x64xf32, #tpu.memory_space<hbm>> -> memref<100000x64xf32, #tpu.memory_space<hbm>>
      tpu.wait_indirect_dma semaphore(%arg7 : memref<!tpu.dma_semaphore, #tpu.memory_space<semaphore_mem>>) src(%dma_wait3A_176 : memref<100000x64xf32, #tpu.memory_space<hbm>>) dst(%dma_wait3A_170 : memref<128x64xf32, #tpu.memory_space<vmem>>)
      %add3A_177 = arith.constant 3 : i32
      %add3A_178 = arith.addi %mul3A_9, %add3A_177 : i32
      %dma_wait3A_179 = arith.constant 3 : i32
      %dma_wait3A_180 = arith.constant 0 : i32
      %dma_wait3A_181 = arith.constant 0 : i32
      %dma_wait3A_182 = tpu.memref_slice %arg6[%dma_wait3A_179, %dma_wait3A_180, %dma_wait3A_181] : memref<10x128x64xf32, #tpu.memory_space<vmem>> -> memref<1x128x64xf32, #tpu.memory_space<vmem>>
      %dma_wait3A_183 = tpu.memref_squeeze %dma_wait3A_182 : memref<1x128x64xf32, #tpu.memory_space<vmem>> -> memref<128x64xf32, #tpu.memory_space<vmem>>
      %dma_wait3A_184 = arith.constant 0 : i32
      %dma_wait3A_185 = tpu.memref_slice %arg5[%add3A_178, %dma_wait3A_184] : memref<50x128xi32, #tpu.memory_space<vmem>> -> memref<1x128xi32, #tpu.memory_space<vmem>>
      %dma_wait3A_186 = tpu.memref_squeeze %dma_wait3A_185 : memref<1x128xi32, #tpu.memory_space<vmem>> -> memref<128xi32, #tpu.memory_space<vmem>>
      %dma_wait3A_187 = arith.constant 0 : i32
      %dma_wait3A_188 = arith.constant 0 : i32
      %dma_wait3A_189 = tpu.memref_slice %arg2[%dma_wait3A_187, %dma_wait3A_188] : memref<100000x64xf32, #tpu.memory_space<hbm>> -> memref<100000x64xf32, #tpu.memory_space<hbm>>
      tpu.wait_indirect_dma semaphore(%arg7 : memref<!tpu.dma_semaphore, #tpu.memory_space<semaphore_mem>>) src(%dma_wait3A_189 : memref<100000x64xf32, #tpu.memory_space<hbm>>) dst(%dma_wait3A_183 : memref<128x64xf32, #tpu.memory_space<vmem>>)
      %add3A_190 = arith.constant 4 : i32
      %add3A_191 = arith.addi %mul3A_9, %add3A_190 : i32
      %dma_wait3A_192 = arith.constant 4 : i32
      %dma_wait3A_193 = arith.constant 0 : i32
      %dma_wait3A_194 = arith.constant 0 : i32
      %dma_wait3A_195 = tpu.memref_slice %arg6[%dma_wait3A_192, %dma_wait3A_193, %dma_wait3A_194] : memref<10x128x64xf32, #tpu.memory_space<vmem>> -> memref<1x128x64xf32, #tpu.memory_space<vmem>>
      %dma_wait3A_196 = tpu.memref_squeeze %dma_wait3A_195 : memref<1x128x64xf32, #tpu.memory_space<vmem>> -> memref<128x64xf32, #tpu.memory_space<vmem>>
      %dma_wait3A_197 = arith.constant 0 : i32
      %dma_wait3A_198 = tpu.memref_slice %arg5[%add3A_191, %dma_wait3A_197] : memref<50x128xi32, #tpu.memory_space<vmem>> -> memref<1x128xi32, #tpu.memory_space<vmem>>
      %dma_wait3A_199 = tpu.memref_squeeze %dma_wait3A_198 : memref<1x128xi32, #tpu.memory_space<vmem>> -> memref<128xi32, #tpu.memory_space<vmem>>
      %dma_wait3A_200 = arith.constant 0 : i32
      %dma_wait3A_201 = arith.constant 0 : i32
      %dma_wait3A_202 = tpu.memref_slice %arg2[%dma_wait3A_200, %dma_wait3A_201] : memref<100000x64xf32, #tpu.memory_space<hbm>> -> memref<100000x64xf32, #tpu.memory_space<hbm>>
      tpu.wait_indirect_dma semaphore(%arg7 : memref<!tpu.dma_semaphore, #tpu.memory_space<semaphore_mem>>) src(%dma_wait3A_202 : memref<100000x64xf32, #tpu.memory_space<hbm>>) dst(%dma_wait3A_196 : memref<128x64xf32, #tpu.memory_space<vmem>>)
      %add3A_203 = arith.constant 5 : i32
      %add3A_204 = arith.addi %mul3A_9, %add3A_203 : i32
      %dma_wait3A_205 = arith.constant 5 : i32
      %dma_wait3A_206 = arith.constant 0 : i32
      %dma_wait3A_207 = arith.constant 0 : i32
      %dma_wait3A_208 = tpu.memref_slice %arg6[%dma_wait3A_205, %dma_wait3A_206, %dma_wait3A_207] : memref<10x128x64xf32, #tpu.memory_space<vmem>> -> memref<1x128x64xf32, #tpu.memory_space<vmem>>
      %dma_wait3A_209 = tpu.memref_squeeze %dma_wait3A_208 : memref<1x128x64xf32, #tpu.memory_space<vmem>> -> memref<128x64xf32, #tpu.memory_space<vmem>>
      %dma_wait3A_210 = arith.constant 0 : i32
      %dma_wait3A_211 = tpu.memref_slice %arg5[%add3A_204, %dma_wait3A_210] : memref<50x128xi32, #tpu.memory_space<vmem>> -> memref<1x128xi32, #tpu.memory_space<vmem>>
      %dma_wait3A_212 = tpu.memref_squeeze %dma_wait3A_211 : memref<1x128xi32, #tpu.memory_space<vmem>> -> memref<128xi32, #tpu.memory_space<vmem>>
      %dma_wait3A_213 = arith.constant 0 : i32
      %dma_wait3A_214 = arith.constant 0 : i32
      %dma_wait3A_215 = tpu.memref_slice %arg2[%dma_wait3A_213, %dma_wait3A_214] : memref<100000x64xf32, #tpu.memory_space<hbm>> -> memref<100000x64xf32, #tpu.memory_space<hbm>>
      tpu.wait_indirect_dma semaphore(%arg7 : memref<!tpu.dma_semaphore, #tpu.memory_space<semaphore_mem>>) src(%dma_wait3A_215 : memref<100000x64xf32, #tpu.memory_space<hbm>>) dst(%dma_wait3A_209 : memref<128x64xf32, #tpu.memory_space<vmem>>)
      %add3A_216 = arith.constant 6 : i32
      %add3A_217 = arith.addi %mul3A_9, %add3A_216 : i32
      %dma_wait3A_218 = arith.constant 6 : i32
      %dma_wait3A_219 = arith.constant 0 : i32
      %dma_wait3A_220 = arith.constant 0 : i32
      %dma_wait3A_221 = tpu.memref_slice %arg6[%dma_wait3A_218, %dma_wait3A_219, %dma_wait3A_220] : memref<10x128x64xf32, #tpu.memory_space<vmem>> -> memref<1x128x64xf32, #tpu.memory_space<vmem>>
      %dma_wait3A_222 = tpu.memref_squeeze %dma_wait3A_221 : memref<1x128x64xf32, #tpu.memory_space<vmem>> -> memref<128x64xf32, #tpu.memory_space<vmem>>
      %dma_wait3A_223 = arith.constant 0 : i32
      %dma_wait3A_224 = tpu.memref_slice %arg5[%add3A_217, %dma_wait3A_223] : memref<50x128xi32, #tpu.memory_space<vmem>> -> memref<1x128xi32, #tpu.memory_space<vmem>>
      %dma_wait3A_225 = tpu.memref_squeeze %dma_wait3A_224 : memref<1x128xi32, #tpu.memory_space<vmem>> -> memref<128xi32, #tpu.memory_space<vmem>>
      %dma_wait3A_226 = arith.constant 0 : i32
      %dma_wait3A_227 = arith.constant 0 : i32
      %dma_wait3A_228 = tpu.memref_slice %arg2[%dma_wait3A_226, %dma_wait3A_227] : memref<100000x64xf32, #tpu.memory_space<hbm>> -> memref<100000x64xf32, #tpu.memory_space<hbm>>
      tpu.wait_indirect_dma semaphore(%arg7 : memref<!tpu.dma_semaphore, #tpu.memory_space<semaphore_mem>>) src(%dma_wait3A_228 : memref<100000x64xf32, #tpu.memory_space<hbm>>) dst(%dma_wait3A_222 : memref<128x64xf32, #tpu.memory_space<vmem>>)
      %add3A_229 = arith.constant 7 : i32
      %add3A_230 = arith.addi %mul3A_9, %add3A_229 : i32
      %dma_wait3A_231 = arith.constant 7 : i32
      %dma_wait3A_232 = arith.constant 0 : i32
      %dma_wait3A_233 = arith.constant 0 : i32
      %dma_wait3A_234 = tpu.memref_slice %arg6[%dma_wait3A_231, %dma_wait3A_232, %dma_wait3A_233] : memref<10x128x64xf32, #tpu.memory_space<vmem>> -> memref<1x128x64xf32, #tpu.memory_space<vmem>>
      %dma_wait3A_235 = tpu.memref_squeeze %dma_wait3A_234 : memref<1x128x64xf32, #tpu.memory_space<vmem>> -> memref<128x64xf32, #tpu.memory_space<vmem>>
      %dma_wait3A_236 = arith.constant 0 : i32
      %dma_wait3A_237 = tpu.memref_slice %arg5[%add3A_230, %dma_wait3A_236] : memref<50x128xi32, #tpu.memory_space<vmem>> -> memref<1x128xi32, #tpu.memory_space<vmem>>
      %dma_wait3A_238 = tpu.memref_squeeze %dma_wait3A_237 : memref<1x128xi32, #tpu.memory_space<vmem>> -> memref<128xi32, #tpu.memory_space<vmem>>
      %dma_wait3A_239 = arith.constant 0 : i32
      %dma_wait3A_240 = arith.constant 0 : i32
      %dma_wait3A_241 = tpu.memref_slice %arg2[%dma_wait3A_239, %dma_wait3A_240] : memref<100000x64xf32, #tpu.memory_space<hbm>> -> memref<100000x64xf32, #tpu.memory_space<hbm>>
      tpu.wait_indirect_dma semaphore(%arg7 : memref<!tpu.dma_semaphore, #tpu.memory_space<semaphore_mem>>) src(%dma_wait3A_241 : memref<100000x64xf32, #tpu.memory_space<hbm>>) dst(%dma_wait3A_235 : memref<128x64xf32, #tpu.memory_space<vmem>>)
      %add3A_242 = arith.constant 8 : i32
      %add3A_243 = arith.addi %mul3A_9, %add3A_242 : i32
      %dma_wait3A_244 = arith.constant 8 : i32
      %dma_wait3A_245 = arith.constant 0 : i32
      %dma_wait3A_246 = arith.constant 0 : i32
      %dma_wait3A_247 = tpu.memref_slice %arg6[%dma_wait3A_244, %dma_wait3A_245, %dma_wait3A_246] : memref<10x128x64xf32, #tpu.memory_space<vmem>> -> memref<1x128x64xf32, #tpu.memory_space<vmem>>
      %dma_wait3A_248 = tpu.memref_squeeze %dma_wait3A_247 : memref<1x128x64xf32, #tpu.memory_space<vmem>> -> memref<128x64xf32, #tpu.memory_space<vmem>>
      %dma_wait3A_249 = arith.constant 0 : i32
      %dma_wait3A_250 = tpu.memref_slice %arg5[%add3A_243, %dma_wait3A_249] : memref<50x128xi32, #tpu.memory_space<vmem>> -> memref<1x128xi32, #tpu.memory_space<vmem>>
      %dma_wait3A_251 = tpu.memref_squeeze %dma_wait3A_250 : memref<1x128xi32, #tpu.memory_space<vmem>> -> memref<128xi32, #tpu.memory_space<vmem>>
      %dma_wait3A_252 = arith.constant 0 : i32
      %dma_wait3A_253 = arith.constant 0 : i32
      %dma_wait3A_254 = tpu.memref_slice %arg2[%dma_wait3A_252, %dma_wait3A_253] : memref<100000x64xf32, #tpu.memory_space<hbm>> -> memref<100000x64xf32, #tpu.memory_space<hbm>>
      tpu.wait_indirect_dma semaphore(%arg7 : memref<!tpu.dma_semaphore, #tpu.memory_space<semaphore_mem>>) src(%dma_wait3A_254 : memref<100000x64xf32, #tpu.memory_space<hbm>>) dst(%dma_wait3A_248 : memref<128x64xf32, #tpu.memory_space<vmem>>)
      %add3A_255 = arith.constant 9 : i32
      %add3A_256 = arith.addi %mul3A_9, %add3A_255 : i32
      %dma_wait3A_257 = arith.constant 9 : i32
      %dma_wait3A_258 = arith.constant 0 : i32
      %dma_wait3A_259 = arith.constant 0 : i32
      %dma_wait3A_260 = tpu.memref_slice %arg6[%dma_wait3A_257, %dma_wait3A_258, %dma_wait3A_259] : memref<10x128x64xf32, #tpu.memory_space<vmem>> -> memref<1x128x64xf32, #tpu.memory_space<vmem>>
      %dma_wait3A_261 = tpu.memref_squeeze %dma_wait3A_260 : memref<1x128x64xf32, #tpu.memory_space<vmem>> -> memref<128x64xf32, #tpu.memory_space<vmem>>
      %dma_wait3A_262 = arith.constant 0 : i32
      %dma_wait3A_263 = tpu.memref_slice %arg5[%add3A_256, %dma_wait3A_262] : memref<50x128xi32, #tpu.memory_space<vmem>> -> memref<1x128xi32, #tpu.memory_space<vmem>>
      %dma_wait3A_264 = tpu.memref_squeeze %dma_wait3A_263 : memref<1x128xi32, #tpu.memory_space<vmem>> -> memref<128xi32, #tpu.memory_space<vmem>>
      %dma_wait3A_265 = arith.constant 0 : i32
      %dma_wait3A_266 = arith.constant 0 : i32
      %dma_wait3A_267 = tpu.memref_slice %arg2[%dma_wait3A_265, %dma_wait3A_266] : memref<100000x64xf32, #tpu.memory_space<hbm>> -> memref<100000x64xf32, #tpu.memory_space<hbm>>
      tpu.wait_indirect_dma semaphore(%arg7 : memref<!tpu.dma_semaphore, #tpu.memory_space<semaphore_mem>>) src(%dma_wait3A_267 : memref<100000x64xf32, #tpu.memory_space<hbm>>) dst(%dma_wait3A_261 : memref<128x64xf32, #tpu.memory_space<vmem>>)
      %add3A_268 = arith.addi %mul3A_2, %mul3A_9 : i32
      %add3A_269 = arith.constant 0 : i32
      %add3A_270 = arith.addi %add3A_268, %add3A_269 : i32
      %mul3A_271 = arith.constant 128 : i32
      %mul3A_272 = arith.muli %add3A_270, %mul3A_271 : i32
      %dma_start3A_273 = arith.constant 0 : i32
      %dma_start3A_274 = arith.constant 0 : i32
      %dma_start3A_275 = arith.constant 0 : i32
      %dma_start3A_276 = tpu.memref_slice %arg6[%dma_start3A_273, %dma_start3A_274, %dma_start3A_275] : memref<10x128x64xf32, #tpu.memory_space<vmem>> -> memref<1x128x64xf32, #tpu.memory_space<vmem>>
      %dma_start3A_277 = tpu.memref_squeeze %dma_start3A_276 : memref<1x128x64xf32, #tpu.memory_space<vmem>> -> memref<128x64xf32, #tpu.memory_space<vmem>>
      %dma_start3A_278 = arith.constant 0 : i32
      %dma_start3A_279 = tpu.memref_slice %arg4[%mul3A_272, %dma_start3A_278] : memref<204800x64xf32, #tpu.memory_space<hbm>> -> memref<128x64xf32, #tpu.memory_space<hbm>>
      %dma_start3A_280 = arith.constant 0 : i32
      %dma_start3A_281 = tpu.memref_slice %arg4[%mul3A_272, %dma_start3A_280] : memref<204800x64xf32, #tpu.memory_space<hbm>> -> memref<128x64xf32, #tpu.memory_space<hbm>>
      %dma_start3A_282 = arith.constant 0 : i32
      %dma_start3A_283 = arith.constant 0 : i32
      %dma_start3A_284 = tpu.memref_slice %arg6[%dma_start3A_273, %dma_start3A_282, %dma_start3A_283] : memref<10x128x64xf32, #tpu.memory_space<vmem>> -> memref<1x128x64xf32, #tpu.memory_space<vmem>>
      %dma_start3A_285 = tpu.memref_squeeze %dma_start3A_284 : memref<1x128x64xf32, #tpu.memory_space<vmem>> -> memref<128x64xf32, #tpu.memory_space<vmem>>
      tpu.enqueue_dma source(%dma_start3A_285 : memref<128x64xf32, #tpu.memory_space<vmem>>) target(%dma_start3A_281 : memref<128x64xf32, #tpu.memory_space<hbm>>) target_semaphore(%arg8 : memref<!tpu.dma_semaphore, #tpu.memory_space<semaphore_mem>>)
      %add3A_286 = arith.addi %mul3A_2, %mul3A_9 : i32
      %add3A_287 = arith.constant 1 : i32
      %add3A_288 = arith.addi %add3A_286, %add3A_287 : i32
      %mul3A_289 = arith.constant 128 : i32
      %mul3A_290 = arith.muli %add3A_288, %mul3A_289 : i32
      %dma_start3A_291 = arith.constant 1 : i32
      %dma_start3A_292 = arith.constant 0 : i32
      %dma_start3A_293 = arith.constant 0 : i32
      %dma_start3A_294 = tpu.memref_slice %arg6[%dma_start3A_291, %dma_start3A_292, %dma_start3A_293] : memref<10x128x64xf32, #tpu.memory_space<vmem>> -> memref<1x128x64xf32, #tpu.memory_space<vmem>>
      %dma_start3A_295 = tpu.memref_squeeze %dma_start3A_294 : memref<1x128x64xf32, #tpu.memory_space<vmem>> -> memref<128x64xf32, #tpu.memory_space<vmem>>
      %dma_start3A_296 = arith.constant 0 : i32
      %dma_start3A_297 = tpu.memref_slice %arg4[%mul3A_290, %dma_start3A_296] : memref<204800x64xf32, #tpu.memory_space<hbm>> -> memref<128x64xf32, #tpu.memory_space<hbm>>
      %dma_start3A_298 = arith.constant 0 : i32
      %dma_start3A_299 = tpu.memref_slice %arg4[%mul3A_290, %dma_start3A_298] : memref<204800x64xf32, #tpu.memory_space<hbm>> -> memref<128x64xf32, #tpu.memory_space<hbm>>
      %dma_start3A_300 = arith.constant 0 : i32
      %dma_start3A_301 = arith.constant 0 : i32
      %dma_start3A_302 = tpu.memref_slice %arg6[%dma_start3A_291, %dma_start3A_300, %dma_start3A_301] : memref<10x128x64xf32, #tpu.memory_space<vmem>> -> memref<1x128x64xf32, #tpu.memory_space<vmem>>
      %dma_start3A_303 = tpu.memref_squeeze %dma_start3A_302 : memref<1x128x64xf32, #tpu.memory_space<vmem>> -> memref<128x64xf32, #tpu.memory_space<vmem>>
      tpu.enqueue_dma source(%dma_start3A_303 : memref<128x64xf32, #tpu.memory_space<vmem>>) target(%dma_start3A_299 : memref<128x64xf32, #tpu.memory_space<hbm>>) target_semaphore(%arg8 : memref<!tpu.dma_semaphore, #tpu.memory_space<semaphore_mem>>)
      %add3A_304 = arith.addi %mul3A_2, %mul3A_9 : i32
      %add3A_305 = arith.constant 2 : i32
      %add3A_306 = arith.addi %add3A_304, %add3A_305 : i32
      %mul3A_307 = arith.constant 128 : i32
      %mul3A_308 = arith.muli %add3A_306, %mul3A_307 : i32
      %dma_start3A_309 = arith.constant 2 : i32
      %dma_start3A_310 = arith.constant 0 : i32
      %dma_start3A_311 = arith.constant 0 : i32
      %dma_start3A_312 = tpu.memref_slice %arg6[%dma_start3A_309, %dma_start3A_310, %dma_start3A_311] : memref<10x128x64xf32, #tpu.memory_space<vmem>> -> memref<1x128x64xf32, #tpu.memory_space<vmem>>
      %dma_start3A_313 = tpu.memref_squeeze %dma_start3A_312 : memref<1x128x64xf32, #tpu.memory_space<vmem>> -> memref<128x64xf32, #tpu.memory_space<vmem>>
      %dma_start3A_314 = arith.constant 0 : i32
      %dma_start3A_315 = tpu.memref_slice %arg4[%mul3A_308, %dma_start3A_314] : memref<204800x64xf32, #tpu.memory_space<hbm>> -> memref<128x64xf32, #tpu.memory_space<hbm>>
      %dma_start3A_316 = arith.constant 0 : i32
      %dma_start3A_317 = tpu.memref_slice %arg4[%mul3A_308, %dma_start3A_316] : memref<204800x64xf32, #tpu.memory_space<hbm>> -> memref<128x64xf32, #tpu.memory_space<hbm>>
      %dma_start3A_318 = arith.constant 0 : i32
      %dma_start3A_319 = arith.constant 0 : i32
      %dma_start3A_320 = tpu.memref_slice %arg6[%dma_start3A_309, %dma_start3A_318, %dma_start3A_319] : memref<10x128x64xf32, #tpu.memory_space<vmem>> -> memref<1x128x64xf32, #tpu.memory_space<vmem>>
      %dma_start3A_321 = tpu.memref_squeeze %dma_start3A_320 : memref<1x128x64xf32, #tpu.memory_space<vmem>> -> memref<128x64xf32, #tpu.memory_space<vmem>>
      tpu.enqueue_dma source(%dma_start3A_321 : memref<128x64xf32, #tpu.memory_space<vmem>>) target(%dma_start3A_317 : memref<128x64xf32, #tpu.memory_space<hbm>>) target_semaphore(%arg8 : memref<!tpu.dma_semaphore, #tpu.memory_space<semaphore_mem>>)
      %add3A_322 = arith.addi %mul3A_2, %mul3A_9 : i32
      %add3A_323 = arith.constant 3 : i32
      %add3A_324 = arith.addi %add3A_322, %add3A_323 : i32
      %mul3A_325 = arith.constant 128 : i32
      %mul3A_326 = arith.muli %add3A_324, %mul3A_325 : i32
      %dma_start3A_327 = arith.constant 3 : i32
      %dma_start3A_328 = arith.constant 0 : i32
      %dma_start3A_329 = arith.constant 0 : i32
      %dma_start3A_330 = tpu.memref_slice %arg6[%dma_start3A_327, %dma_start3A_328, %dma_start3A_329] : memref<10x128x64xf32, #tpu.memory_space<vmem>> -> memref<1x128x64xf32, #tpu.memory_space<vmem>>
      %dma_start3A_331 = tpu.memref_squeeze %dma_start3A_330 : memref<1x128x64xf32, #tpu.memory_space<vmem>> -> memref<128x64xf32, #tpu.memory_space<vmem>>
      %dma_start3A_332 = arith.constant 0 : i32
      %dma_start3A_333 = tpu.memref_slice %arg4[%mul3A_326, %dma_start3A_332] : memref<204800x64xf32, #tpu.memory_space<hbm>> -> memref<128x64xf32, #tpu.memory_space<hbm>>
      %dma_start3A_334 = arith.constant 0 : i32
      %dma_start3A_335 = tpu.memref_slice %arg4[%mul3A_326, %dma_start3A_334] : memref<204800x64xf32, #tpu.memory_space<hbm>> -> memref<128x64xf32, #tpu.memory_space<hbm>>
      %dma_start3A_336 = arith.constant 0 : i32
      %dma_start3A_337 = arith.constant 0 : i32
      %dma_start3A_338 = tpu.memref_slice %arg6[%dma_start3A_327, %dma_start3A_336, %dma_start3A_337] : memref<10x128x64xf32, #tpu.memory_space<vmem>> -> memref<1x128x64xf32, #tpu.memory_space<vmem>>
      %dma_start3A_339 = tpu.memref_squeeze %dma_start3A_338 : memref<1x128x64xf32, #tpu.memory_space<vmem>> -> memref<128x64xf32, #tpu.memory_space<vmem>>
      tpu.enqueue_dma source(%dma_start3A_339 : memref<128x64xf32, #tpu.memory_space<vmem>>) target(%dma_start3A_335 : memref<128x64xf32, #tpu.memory_space<hbm>>) target_semaphore(%arg8 : memref<!tpu.dma_semaphore, #tpu.memory_space<semaphore_mem>>)
      %add3A_340 = arith.addi %mul3A_2, %mul3A_9 : i32
      %add3A_341 = arith.constant 4 : i32
      %add3A_342 = arith.addi %add3A_340, %add3A_341 : i32
      %mul3A_343 = arith.constant 128 : i32
      %mul3A_344 = arith.muli %add3A_342, %mul3A_343 : i32
      %dma_start3A_345 = arith.constant 4 : i32
      %dma_start3A_346 = arith.constant 0 : i32
      %dma_start3A_347 = arith.constant 0 : i32
      %dma_start3A_348 = tpu.memref_slice %arg6[%dma_start3A_345, %dma_start3A_346, %dma_start3A_347] : memref<10x128x64xf32, #tpu.memory_space<vmem>> -> memref<1x128x64xf32, #tpu.memory_space<vmem>>
      %dma_start3A_349 = tpu.memref_squeeze %dma_start3A_348 : memref<1x128x64xf32, #tpu.memory_space<vmem>> -> memref<128x64xf32, #tpu.memory_space<vmem>>
      %dma_start3A_350 = arith.constant 0 : i32
      %dma_start3A_351 = tpu.memref_slice %arg4[%mul3A_344, %dma_start3A_350] : memref<204800x64xf32, #tpu.memory_space<hbm>> -> memref<128x64xf32, #tpu.memory_space<hbm>>
      %dma_start3A_352 = arith.constant 0 : i32
      %dma_start3A_353 = tpu.memref_slice %arg4[%mul3A_344, %dma_start3A_352] : memref<204800x64xf32, #tpu.memory_space<hbm>> -> memref<128x64xf32, #tpu.memory_space<hbm>>
      %dma_start3A_354 = arith.constant 0 : i32
      %dma_start3A_355 = arith.constant 0 : i32
      %dma_start3A_356 = tpu.memref_slice %arg6[%dma_start3A_345, %dma_start3A_354, %dma_start3A_355] : memref<10x128x64xf32, #tpu.memory_space<vmem>> -> memref<1x128x64xf32, #tpu.memory_space<vmem>>
      %dma_start3A_357 = tpu.memref_squeeze %dma_start3A_356 : memref<1x128x64xf32, #tpu.memory_space<vmem>> -> memref<128x64xf32, #tpu.memory_space<vmem>>
      tpu.enqueue_dma source(%dma_start3A_357 : memref<128x64xf32, #tpu.memory_space<vmem>>) target(%dma_start3A_353 : memref<128x64xf32, #tpu.memory_space<hbm>>) target_semaphore(%arg8 : memref<!tpu.dma_semaphore, #tpu.memory_space<semaphore_mem>>)
      %add3A_358 = arith.addi %mul3A_2, %mul3A_9 : i32
      %add3A_359 = arith.constant 5 : i32
      %add3A_360 = arith.addi %add3A_358, %add3A_359 : i32
      %mul3A_361 = arith.constant 128 : i32
      %mul3A_362 = arith.muli %add3A_360, %mul3A_361 : i32
      %dma_start3A_363 = arith.constant 5 : i32
      %dma_start3A_364 = arith.constant 0 : i32
      %dma_start3A_365 = arith.constant 0 : i32
      %dma_start3A_366 = tpu.memref_slice %arg6[%dma_start3A_363, %dma_start3A_364, %dma_start3A_365] : memref<10x128x64xf32, #tpu.memory_space<vmem>> -> memref<1x128x64xf32, #tpu.memory_space<vmem>>
      %dma_start3A_367 = tpu.memref_squeeze %dma_start3A_366 : memref<1x128x64xf32, #tpu.memory_space<vmem>> -> memref<128x64xf32, #tpu.memory_space<vmem>>
      %dma_start3A_368 = arith.constant 0 : i32
      %dma_start3A_369 = tpu.memref_slice %arg4[%mul3A_362, %dma_start3A_368] : memref<204800x64xf32, #tpu.memory_space<hbm>> -> memref<128x64xf32, #tpu.memory_space<hbm>>
      %dma_start3A_370 = arith.constant 0 : i32
      %dma_start3A_371 = tpu.memref_slice %arg4[%mul3A_362, %dma_start3A_370] : memref<204800x64xf32, #tpu.memory_space<hbm>> -> memref<128x64xf32, #tpu.memory_space<hbm>>
      %dma_start3A_372 = arith.constant 0 : i32
      %dma_start3A_373 = arith.constant 0 : i32
      %dma_start3A_374 = tpu.memref_slice %arg6[%dma_start3A_363, %dma_start3A_372, %dma_start3A_373] : memref<10x128x64xf32, #tpu.memory_space<vmem>> -> memref<1x128x64xf32, #tpu.memory_space<vmem>>
      %dma_start3A_375 = tpu.memref_squeeze %dma_start3A_374 : memref<1x128x64xf32, #tpu.memory_space<vmem>> -> memref<128x64xf32, #tpu.memory_space<vmem>>
      tpu.enqueue_dma source(%dma_start3A_375 : memref<128x64xf32, #tpu.memory_space<vmem>>) target(%dma_start3A_371 : memref<128x64xf32, #tpu.memory_space<hbm>>) target_semaphore(%arg8 : memref<!tpu.dma_semaphore, #tpu.memory_space<semaphore_mem>>)
      %add3A_376 = arith.addi %mul3A_2, %mul3A_9 : i32
      %add3A_377 = arith.constant 6 : i32
      %add3A_378 = arith.addi %add3A_376, %add3A_377 : i32
      %mul3A_379 = arith.constant 128 : i32
      %mul3A_380 = arith.muli %add3A_378, %mul3A_379 : i32
      %dma_start3A_381 = arith.constant 6 : i32
      %dma_start3A_382 = arith.constant 0 : i32
      %dma_start3A_383 = arith.constant 0 : i32
      %dma_start3A_384 = tpu.memref_slice %arg6[%dma_start3A_381, %dma_start3A_382, %dma_start3A_383] : memref<10x128x64xf32, #tpu.memory_space<vmem>> -> memref<1x128x64xf32, #tpu.memory_space<vmem>>
      %dma_start3A_385 = tpu.memref_squeeze %dma_start3A_384 : memref<1x128x64xf32, #tpu.memory_space<vmem>> -> memref<128x64xf32, #tpu.memory_space<vmem>>
      %dma_start3A_386 = arith.constant 0 : i32
      %dma_start3A_387 = tpu.memref_slice %arg4[%mul3A_380, %dma_start3A_386] : memref<204800x64xf32, #tpu.memory_space<hbm>> -> memref<128x64xf32, #tpu.memory_space<hbm>>
      %dma_start3A_388 = arith.constant 0 : i32
      %dma_start3A_389 = tpu.memref_slice %arg4[%mul3A_380, %dma_start3A_388] : memref<204800x64xf32, #tpu.memory_space<hbm>> -> memref<128x64xf32, #tpu.memory_space<hbm>>
      %dma_start3A_390 = arith.constant 0 : i32
      %dma_start3A_391 = arith.constant 0 : i32
      %dma_start3A_392 = tpu.memref_slice %arg6[%dma_start3A_381, %dma_start3A_390, %dma_start3A_391] : memref<10x128x64xf32, #tpu.memory_space<vmem>> -> memref<1x128x64xf32, #tpu.memory_space<vmem>>
      %dma_start3A_393 = tpu.memref_squeeze %dma_start3A_392 : memref<1x128x64xf32, #tpu.memory_space<vmem>> -> memref<128x64xf32, #tpu.memory_space<vmem>>
      tpu.enqueue_dma source(%dma_start3A_393 : memref<128x64xf32, #tpu.memory_space<vmem>>) target(%dma_start3A_389 : memref<128x64xf32, #tpu.memory_space<hbm>>) target_semaphore(%arg8 : memref<!tpu.dma_semaphore, #tpu.memory_space<semaphore_mem>>)
      %add3A_394 = arith.addi %mul3A_2, %mul3A_9 : i32
      %add3A_395 = arith.constant 7 : i32
      %add3A_396 = arith.addi %add3A_394, %add3A_395 : i32
      %mul3A_397 = arith.constant 128 : i32
      %mul3A_398 = arith.muli %add3A_396, %mul3A_397 : i32
      %dma_start3A_399 = arith.constant 7 : i32
      %dma_start3A_400 = arith.constant 0 : i32
      %dma_start3A_401 = arith.constant 0 : i32
      %dma_start3A_402 = tpu.memref_slice %arg6[%dma_start3A_399, %dma_start3A_400, %dma_start3A_401] : memref<10x128x64xf32, #tpu.memory_space<vmem>> -> memref<1x128x64xf32, #tpu.memory_space<vmem>>
      %dma_start3A_403 = tpu.memref_squeeze %dma_start3A_402 : memref<1x128x64xf32, #tpu.memory_space<vmem>> -> memref<128x64xf32, #tpu.memory_space<vmem>>
      %dma_start3A_404 = arith.constant 0 : i32
      %dma_start3A_405 = tpu.memref_slice %arg4[%mul3A_398, %dma_start3A_404] : memref<204800x64xf32, #tpu.memory_space<hbm>> -> memref<128x64xf32, #tpu.memory_space<hbm>>
      %dma_start3A_406 = arith.constant 0 : i32
      %dma_start3A_407 = tpu.memref_slice %arg4[%mul3A_398, %dma_start3A_406] : memref<204800x64xf32, #tpu.memory_space<hbm>> -> memref<128x64xf32, #tpu.memory_space<hbm>>
      %dma_start3A_408 = arith.constant 0 : i32
      %dma_start3A_409 = arith.constant 0 : i32
      %dma_start3A_410 = tpu.memref_slice %arg6[%dma_start3A_399, %dma_start3A_408, %dma_start3A_409] : memref<10x128x64xf32, #tpu.memory_space<vmem>> -> memref<1x128x64xf32, #tpu.memory_space<vmem>>
      %dma_start3A_411 = tpu.memref_squeeze %dma_start3A_410 : memref<1x128x64xf32, #tpu.memory_space<vmem>> -> memref<128x64xf32, #tpu.memory_space<vmem>>
      tpu.enqueue_dma source(%dma_start3A_411 : memref<128x64xf32, #tpu.memory_space<vmem>>) target(%dma_start3A_407 : memref<128x64xf32, #tpu.memory_space<hbm>>) target_semaphore(%arg8 : memref<!tpu.dma_semaphore, #tpu.memory_space<semaphore_mem>>)
      %add3A_412 = arith.addi %mul3A_2, %mul3A_9 : i32
      %add3A_413 = arith.constant 8 : i32
      %add3A_414 = arith.addi %add3A_412, %add3A_413 : i32
      %mul3A_415 = arith.constant 128 : i32
      %mul3A_416 = arith.muli %add3A_414, %mul3A_415 : i32
      %dma_start3A_417 = arith.constant 8 : i32
      %dma_start3A_418 = arith.constant 0 : i32
      %dma_start3A_419 = arith.constant 0 : i32
      %dma_start3A_420 = tpu.memref_slice %arg6[%dma_start3A_417, %dma_start3A_418, %dma_start3A_419] : memref<10x128x64xf32, #tpu.memory_space<vmem>> -> memref<1x128x64xf32, #tpu.memory_space<vmem>>
      %dma_start3A_421 = tpu.memref_squeeze %dma_start3A_420 : memref<1x128x64xf32, #tpu.memory_space<vmem>> -> memref<128x64xf32, #tpu.memory_space<vmem>>
      %dma_start3A_422 = arith.constant 0 : i32
      %dma_start3A_423 = tpu.memref_slice %arg4[%mul3A_416, %dma_start3A_422] : memref<204800x64xf32, #tpu.memory_space<hbm>> -> memref<128x64xf32, #tpu.memory_space<hbm>>
      %dma_start3A_424 = arith.constant 0 : i32
      %dma_start3A_425 = tpu.memref_slice %arg4[%mul3A_416, %dma_start3A_424] : memref<204800x64xf32, #tpu.memory_space<hbm>> -> memref<128x64xf32, #tpu.memory_space<hbm>>
      %dma_start3A_426 = arith.constant 0 : i32
      %dma_start3A_427 = arith.constant 0 : i32
      %dma_start3A_428 = tpu.memref_slice %arg6[%dma_start3A_417, %dma_start3A_426, %dma_start3A_427] : memref<10x128x64xf32, #tpu.memory_space<vmem>> -> memref<1x128x64xf32, #tpu.memory_space<vmem>>
      %dma_start3A_429 = tpu.memref_squeeze %dma_start3A_428 : memref<1x128x64xf32, #tpu.memory_space<vmem>> -> memref<128x64xf32, #tpu.memory_space<vmem>>
      tpu.enqueue_dma source(%dma_start3A_429 : memref<128x64xf32, #tpu.memory_space<vmem>>) target(%dma_start3A_425 : memref<128x64xf32, #tpu.memory_space<hbm>>) target_semaphore(%arg8 : memref<!tpu.dma_semaphore, #tpu.memory_space<semaphore_mem>>)
      %add3A_430 = arith.addi %mul3A_2, %mul3A_9 : i32
      %add3A_431 = arith.constant 9 : i32
      %add3A_432 = arith.addi %add3A_430, %add3A_431 : i32
      %mul3A_433 = arith.constant 128 : i32
      %mul3A_434 = arith.muli %add3A_432, %mul3A_433 : i32
      %dma_start3A_435 = arith.constant 9 : i32
      %dma_start3A_436 = arith.constant 0 : i32
      %dma_start3A_437 = arith.constant 0 : i32
      %dma_start3A_438 = tpu.memref_slice %arg6[%dma_start3A_435, %dma_start3A_436, %dma_start3A_437] : memref<10x128x64xf32, #tpu.memory_space<vmem>> -> memref<1x128x64xf32, #tpu.memory_space<vmem>>
      %dma_start3A_439 = tpu.memref_squeeze %dma_start3A_438 : memref<1x128x64xf32, #tpu.memory_space<vmem>> -> memref<128x64xf32, #tpu.memory_space<vmem>>
      %dma_start3A_440 = arith.constant 0 : i32
      %dma_start3A_441 = tpu.memref_slice %arg4[%mul3A_434, %dma_start3A_440] : memref<204800x64xf32, #tpu.memory_space<hbm>> -> memref<128x64xf32, #tpu.memory_space<hbm>>
      %dma_start3A_442 = arith.constant 0 : i32
      %dma_start3A_443 = tpu.memref_slice %arg4[%mul3A_434, %dma_start3A_442] : memref<204800x64xf32, #tpu.memory_space<hbm>> -> memref<128x64xf32, #tpu.memory_space<hbm>>
      %dma_start3A_444 = arith.constant 0 : i32
      %dma_start3A_445 = arith.constant 0 : i32
      %dma_start3A_446 = tpu.memref_slice %arg6[%dma_start3A_435, %dma_start3A_444, %dma_start3A_445] : memref<10x128x64xf32, #tpu.memory_space<vmem>> -> memref<1x128x64xf32, #tpu.memory_space<vmem>>
      %dma_start3A_447 = tpu.memref_squeeze %dma_start3A_446 : memref<1x128x64xf32, #tpu.memory_space<vmem>> -> memref<128x64xf32, #tpu.memory_space<vmem>>
      tpu.enqueue_dma source(%dma_start3A_447 : memref<128x64xf32, #tpu.memory_space<vmem>>) target(%dma_start3A_443 : memref<128x64xf32, #tpu.memory_space<hbm>>) target_semaphore(%arg8 : memref<!tpu.dma_semaphore, #tpu.memory_space<semaphore_mem>>)
      %add3A_448 = arith.addi %mul3A_2, %mul3A_9 : i32
      %add3A_449 = arith.constant 0 : i32
      %add3A_450 = arith.addi %add3A_448, %add3A_449 : i32
      %mul3A_451 = arith.constant 128 : i32
      %mul3A_452 = arith.muli %add3A_450, %mul3A_451 : i32
      %dma_wait3A_453 = arith.constant 0 : i32
      %dma_wait3A_454 = arith.constant 0 : i32
      %dma_wait3A_455 = arith.constant 0 : i32
      %dma_wait3A_456 = tpu.memref_slice %arg6[%dma_wait3A_453, %dma_wait3A_454, %dma_wait3A_455] : memref<10x128x64xf32, #tpu.memory_space<vmem>> -> memref<1x128x64xf32, #tpu.memory_space<vmem>>
      %dma_wait3A_457 = tpu.memref_squeeze %dma_wait3A_456 : memref<1x128x64xf32, #tpu.memory_space<vmem>> -> memref<128x64xf32, #tpu.memory_space<vmem>>
      %dma_wait3A_458 = arith.constant 0 : i32
      %dma_wait3A_459 = tpu.memref_slice %arg4[%mul3A_452, %dma_wait3A_458] : memref<204800x64xf32, #tpu.memory_space<hbm>> -> memref<128x64xf32, #tpu.memory_space<hbm>>
      %dma_wait3A_460 = arith.constant 0 : i32
      %dma_wait3A_461 = tpu.memref_slice %arg4[%mul3A_452, %dma_wait3A_460] : memref<204800x64xf32, #tpu.memory_space<hbm>> -> memref<128x64xf32, #tpu.memory_space<hbm>>
      %dma_wait3A_462 = arith.constant 0 : i32
      %dma_wait3A_463 = arith.constant 0 : i32
      %dma_wait3A_464 = tpu.memref_slice %arg6[%dma_wait3A_453, %dma_wait3A_462, %dma_wait3A_463] : memref<10x128x64xf32, #tpu.memory_space<vmem>> -> memref<1x128x64xf32, #tpu.memory_space<vmem>>
      %dma_wait3A_465 = tpu.memref_squeeze %dma_wait3A_464 : memref<1x128x64xf32, #tpu.memory_space<vmem>> -> memref<128x64xf32, #tpu.memory_space<vmem>>
      tpu.wait_dma2 semaphore(%arg8 : memref<!tpu.dma_semaphore, #tpu.memory_space<semaphore_mem>>) src(%dma_wait3A_465 : memref<128x64xf32, #tpu.memory_space<vmem>>) dst(%dma_wait3A_461 : memref<128x64xf32, #tpu.memory_space<hbm>>)
      %add3A_466 = arith.addi %mul3A_2, %mul3A_9 : i32
      %add3A_467 = arith.constant 1 : i32
      %add3A_468 = arith.addi %add3A_466, %add3A_467 : i32
      %mul3A_469 = arith.constant 128 : i32
      %mul3A_470 = arith.muli %add3A_468, %mul3A_469 : i32
      %dma_wait3A_471 = arith.constant 1 : i32
      %dma_wait3A_472 = arith.constant 0 : i32
      %dma_wait3A_473 = arith.constant 0 : i32
      %dma_wait3A_474 = tpu.memref_slice %arg6[%dma_wait3A_471, %dma_wait3A_472, %dma_wait3A_473] : memref<10x128x64xf32, #tpu.memory_space<vmem>> -> memref<1x128x64xf32, #tpu.memory_space<vmem>>
      %dma_wait3A_475 = tpu.memref_squeeze %dma_wait3A_474 : memref<1x128x64xf32, #tpu.memory_space<vmem>> -> memref<128x64xf32, #tpu.memory_space<vmem>>
      %dma_wait3A_476 = arith.constant 0 : i32
      %dma_wait3A_477 = tpu.memref_slice %arg4[%mul3A_470, %dma_wait3A_476] : memref<204800x64xf32, #tpu.memory_space<hbm>> -> memref<128x64xf32, #tpu.memory_space<hbm>>
      %dma_wait3A_478 = arith.constant 0 : i32
      %dma_wait3A_479 = tpu.memref_slice %arg4[%mul3A_470, %dma_wait3A_478] : memref<204800x64xf32, #tpu.memory_space<hbm>> -> memref<128x64xf32, #tpu.memory_space<hbm>>
      %dma_wait3A_480 = arith.constant 0 : i32
      %dma_wait3A_481 = arith.constant 0 : i32
      %dma_wait3A_482 = tpu.memref_slice %arg6[%dma_wait3A_471, %dma_wait3A_480, %dma_wait3A_481] : memref<10x128x64xf32, #tpu.memory_space<vmem>> -> memref<1x128x64xf32, #tpu.memory_space<vmem>>
      %dma_wait3A_483 = tpu.memref_squeeze %dma_wait3A_482 : memref<1x128x64xf32, #tpu.memory_space<vmem>> -> memref<128x64xf32, #tpu.memory_space<vmem>>
      tpu.wait_dma2 semaphore(%arg8 : memref<!tpu.dma_semaphore, #tpu.memory_space<semaphore_mem>>) src(%dma_wait3A_483 : memref<128x64xf32, #tpu.memory_space<vmem>>) dst(%dma_wait3A_479 : memref<128x64xf32, #tpu.memory_space<hbm>>)
      %add3A_484 = arith.addi %mul3A_2, %mul3A_9 : i32
      %add3A_485 = arith.constant 2 : i32
      %add3A_486 = arith.addi %add3A_484, %add3A_485 : i32
      %mul3A_487 = arith.constant 128 : i32
      %mul3A_488 = arith.muli %add3A_486, %mul3A_487 : i32
      %dma_wait3A_489 = arith.constant 2 : i32
      %dma_wait3A_490 = arith.constant 0 : i32
      %dma_wait3A_491 = arith.constant 0 : i32
      %dma_wait3A_492 = tpu.memref_slice %arg6[%dma_wait3A_489, %dma_wait3A_490, %dma_wait3A_491] : memref<10x128x64xf32, #tpu.memory_space<vmem>> -> memref<1x128x64xf32, #tpu.memory_space<vmem>>
      %dma_wait3A_493 = tpu.memref_squeeze %dma_wait3A_492 : memref<1x128x64xf32, #tpu.memory_space<vmem>> -> memref<128x64xf32, #tpu.memory_space<vmem>>
      %dma_wait3A_494 = arith.constant 0 : i32
      %dma_wait3A_495 = tpu.memref_slice %arg4[%mul3A_488, %dma_wait3A_494] : memref<204800x64xf32, #tpu.memory_space<hbm>> -> memref<128x64xf32, #tpu.memory_space<hbm>>
      %dma_wait3A_496 = arith.constant 0 : i32
      %dma_wait3A_497 = tpu.memref_slice %arg4[%mul3A_488, %dma_wait3A_496] : memref<204800x64xf32, #tpu.memory_space<hbm>> -> memref<128x64xf32, #tpu.memory_space<hbm>>
      %dma_wait3A_498 = arith.constant 0 : i32
      %dma_wait3A_499 = arith.constant 0 : i32
      %dma_wait3A_500 = tpu.memref_slice %arg6[%dma_wait3A_489, %dma_wait3A_498, %dma_wait3A_499] : memref<10x128x64xf32, #tpu.memory_space<vmem>> -> memref<1x128x64xf32, #tpu.memory_space<vmem>>
      %dma_wait3A_501 = tpu.memref_squeeze %dma_wait3A_500 : memref<1x128x64xf32, #tpu.memory_space<vmem>> -> memref<128x64xf32, #tpu.memory_space<vmem>>
      tpu.wait_dma2 semaphore(%arg8 : memref<!tpu.dma_semaphore, #tpu.memory_space<semaphore_mem>>) src(%dma_wait3A_501 : memref<128x64xf32, #tpu.memory_space<vmem>>) dst(%dma_wait3A_497 : memref<128x64xf32, #tpu.memory_space<hbm>>)
      %add3A_502 = arith.addi %mul3A_2, %mul3A_9 : i32
      %add3A_503 = arith.constant 3 : i32
      %add3A_504 = arith.addi %add3A_502, %add3A_503 : i32
      %mul3A_505 = arith.constant 128 : i32
      %mul3A_506 = arith.muli %add3A_504, %mul3A_505 : i32
      %dma_wait3A_507 = arith.constant 3 : i32
      %dma_wait3A_508 = arith.constant 0 : i32
      %dma_wait3A_509 = arith.constant 0 : i32
      %dma_wait3A_510 = tpu.memref_slice %arg6[%dma_wait3A_507, %dma_wait3A_508, %dma_wait3A_509] : memref<10x128x64xf32, #tpu.memory_space<vmem>> -> memref<1x128x64xf32, #tpu.memory_space<vmem>>
      %dma_wait3A_511 = tpu.memref_squeeze %dma_wait3A_510 : memref<1x128x64xf32, #tpu.memory_space<vmem>> -> memref<128x64xf32, #tpu.memory_space<vmem>>
      %dma_wait3A_512 = arith.constant 0 : i32
      %dma_wait3A_513 = tpu.memref_slice %arg4[%mul3A_506, %dma_wait3A_512] : memref<204800x64xf32, #tpu.memory_space<hbm>> -> memref<128x64xf32, #tpu.memory_space<hbm>>
      %dma_wait3A_514 = arith.constant 0 : i32
      %dma_wait3A_515 = tpu.memref_slice %arg4[%mul3A_506, %dma_wait3A_514] : memref<204800x64xf32, #tpu.memory_space<hbm>> -> memref<128x64xf32, #tpu.memory_space<hbm>>
      %dma_wait3A_516 = arith.constant 0 : i32
      %dma_wait3A_517 = arith.constant 0 : i32
      %dma_wait3A_518 = tpu.memref_slice %arg6[%dma_wait3A_507, %dma_wait3A_516, %dma_wait3A_517] : memref<10x128x64xf32, #tpu.memory_space<vmem>> -> memref<1x128x64xf32, #tpu.memory_space<vmem>>
      %dma_wait3A_519 = tpu.memref_squeeze %dma_wait3A_518 : memref<1x128x64xf32, #tpu.memory_space<vmem>> -> memref<128x64xf32, #tpu.memory_space<vmem>>
      tpu.wait_dma2 semaphore(%arg8 : memref<!tpu.dma_semaphore, #tpu.memory_space<semaphore_mem>>) src(%dma_wait3A_519 : memref<128x64xf32, #tpu.memory_space<vmem>>) dst(%dma_wait3A_515 : memref<128x64xf32, #tpu.memory_space<hbm>>)
      %add3A_520 = arith.addi %mul3A_2, %mul3A_9 : i32
      %add3A_521 = arith.constant 4 : i32
      %add3A_522 = arith.addi %add3A_520, %add3A_521 : i32
      %mul3A_523 = arith.constant 128 : i32
      %mul3A_524 = arith.muli %add3A_522, %mul3A_523 : i32
      %dma_wait3A_525 = arith.constant 4 : i32
      %dma_wait3A_526 = arith.constant 0 : i32
      %dma_wait3A_527 = arith.constant 0 : i32
      %dma_wait3A_528 = tpu.memref_slice %arg6[%dma_wait3A_525, %dma_wait3A_526, %dma_wait3A_527] : memref<10x128x64xf32, #tpu.memory_space<vmem>> -> memref<1x128x64xf32, #tpu.memory_space<vmem>>
      %dma_wait3A_529 = tpu.memref_squeeze %dma_wait3A_528 : memref<1x128x64xf32, #tpu.memory_space<vmem>> -> memref<128x64xf32, #tpu.memory_space<vmem>>
      %dma_wait3A_530 = arith.constant 0 : i32
      %dma_wait3A_531 = tpu.memref_slice %arg4[%mul3A_524, %dma_wait3A_530] : memref<204800x64xf32, #tpu.memory_space<hbm>> -> memref<128x64xf32, #tpu.memory_space<hbm>>
      %dma_wait3A_532 = arith.constant 0 : i32
      %dma_wait3A_533 = tpu.memref_slice %arg4[%mul3A_524, %dma_wait3A_532] : memref<204800x64xf32, #tpu.memory_space<hbm>> -> memref<128x64xf32, #tpu.memory_space<hbm>>
      %dma_wait3A_534 = arith.constant 0 : i32
      %dma_wait3A_535 = arith.constant 0 : i32
      %dma_wait3A_536 = tpu.memref_slice %arg6[%dma_wait3A_525, %dma_wait3A_534, %dma_wait3A_535] : memref<10x128x64xf32, #tpu.memory_space<vmem>> -> memref<1x128x64xf32, #tpu.memory_space<vmem>>
      %dma_wait3A_537 = tpu.memref_squeeze %dma_wait3A_536 : memref<1x128x64xf32, #tpu.memory_space<vmem>> -> memref<128x64xf32, #tpu.memory_space<vmem>>
      tpu.wait_dma2 semaphore(%arg8 : memref<!tpu.dma_semaphore, #tpu.memory_space<semaphore_mem>>) src(%dma_wait3A_537 : memref<128x64xf32, #tpu.memory_space<vmem>>) dst(%dma_wait3A_533 : memref<128x64xf32, #tpu.memory_space<hbm>>)
      %add3A_538 = arith.addi %mul3A_2, %mul3A_9 : i32
      %add3A_539 = arith.constant 5 : i32
      %add3A_540 = arith.addi %add3A_538, %add3A_539 : i32
      %mul3A_541 = arith.constant 128 : i32
      %mul3A_542 = arith.muli %add3A_540, %mul3A_541 : i32
      %dma_wait3A_543 = arith.constant 5 : i32
      %dma_wait3A_544 = arith.constant 0 : i32
      %dma_wait3A_545 = arith.constant 0 : i32
      %dma_wait3A_546 = tpu.memref_slice %arg6[%dma_wait3A_543, %dma_wait3A_544, %dma_wait3A_545] : memref<10x128x64xf32, #tpu.memory_space<vmem>> -> memref<1x128x64xf32, #tpu.memory_space<vmem>>
      %dma_wait3A_547 = tpu.memref_squeeze %dma_wait3A_546 : memref<1x128x64xf32, #tpu.memory_space<vmem>> -> memref<128x64xf32, #tpu.memory_space<vmem>>
      %dma_wait3A_548 = arith.constant 0 : i32
      %dma_wait3A_549 = tpu.memref_slice %arg4[%mul3A_542, %dma_wait3A_548] : memref<204800x64xf32, #tpu.memory_space<hbm>> -> memref<128x64xf32, #tpu.memory_space<hbm>>
      %dma_wait3A_550 = arith.constant 0 : i32
      %dma_wait3A_551 = tpu.memref_slice %arg4[%mul3A_542, %dma_wait3A_550] : memref<204800x64xf32, #tpu.memory_space<hbm>> -> memref<128x64xf32, #tpu.memory_space<hbm>>
      %dma_wait3A_552 = arith.constant 0 : i32
      %dma_wait3A_553 = arith.constant 0 : i32
      %dma_wait3A_554 = tpu.memref_slice %arg6[%dma_wait3A_543, %dma_wait3A_552, %dma_wait3A_553] : memref<10x128x64xf32, #tpu.memory_space<vmem>> -> memref<1x128x64xf32, #tpu.memory_space<vmem>>
      %dma_wait3A_555 = tpu.memref_squeeze %dma_wait3A_554 : memref<1x128x64xf32, #tpu.memory_space<vmem>> -> memref<128x64xf32, #tpu.memory_space<vmem>>
      tpu.wait_dma2 semaphore(%arg8 : memref<!tpu.dma_semaphore, #tpu.memory_space<semaphore_mem>>) src(%dma_wait3A_555 : memref<128x64xf32, #tpu.memory_space<vmem>>) dst(%dma_wait3A_551 : memref<128x64xf32, #tpu.memory_space<hbm>>)
      %add3A_556 = arith.addi %mul3A_2, %mul3A_9 : i32
      %add3A_557 = arith.constant 6 : i32
      %add3A_558 = arith.addi %add3A_556, %add3A_557 : i32
      %mul3A_559 = arith.constant 128 : i32
      %mul3A_560 = arith.muli %add3A_558, %mul3A_559 : i32
      %dma_wait3A_561 = arith.constant 6 : i32
      %dma_wait3A_562 = arith.constant 0 : i32
      %dma_wait3A_563 = arith.constant 0 : i32
      %dma_wait3A_564 = tpu.memref_slice %arg6[%dma_wait3A_561, %dma_wait3A_562, %dma_wait3A_563] : memref<10x128x64xf32, #tpu.memory_space<vmem>> -> memref<1x128x64xf32, #tpu.memory_space<vmem>>
      %dma_wait3A_565 = tpu.memref_squeeze %dma_wait3A_564 : memref<1x128x64xf32, #tpu.memory_space<vmem>> -> memref<128x64xf32, #tpu.memory_space<vmem>>
      %dma_wait3A_566 = arith.constant 0 : i32
      %dma_wait3A_567 = tpu.memref_slice %arg4[%mul3A_560, %dma_wait3A_566] : memref<204800x64xf32, #tpu.memory_space<hbm>> -> memref<128x64xf32, #tpu.memory_space<hbm>>
      %dma_wait3A_568 = arith.constant 0 : i32
      %dma_wait3A_569 = tpu.memref_slice %arg4[%mul3A_560, %dma_wait3A_568] : memref<204800x64xf32, #tpu.memory_space<hbm>> -> memref<128x64xf32, #tpu.memory_space<hbm>>
      %dma_wait3A_570 = arith.constant 0 : i32
      %dma_wait3A_571 = arith.constant 0 : i32
      %dma_wait3A_572 = tpu.memref_slice %arg6[%dma_wait3A_561, %dma_wait3A_570, %dma_wait3A_571] : memref<10x128x64xf32, #tpu.memory_space<vmem>> -> memref<1x128x64xf32, #tpu.memory_space<vmem>>
      %dma_wait3A_573 = tpu.memref_squeeze %dma_wait3A_572 : memref<1x128x64xf32, #tpu.memory_space<vmem>> -> memref<128x64xf32, #tpu.memory_space<vmem>>
      tpu.wait_dma2 semaphore(%arg8 : memref<!tpu.dma_semaphore, #tpu.memory_space<semaphore_mem>>) src(%dma_wait3A_573 : memref<128x64xf32, #tpu.memory_space<vmem>>) dst(%dma_wait3A_569 : memref<128x64xf32, #tpu.memory_space<hbm>>)
      %add3A_574 = arith.addi %mul3A_2, %mul3A_9 : i32
      %add3A_575 = arith.constant 7 : i32
      %add3A_576 = arith.addi %add3A_574, %add3A_575 : i32
      %mul3A_577 = arith.constant 128 : i32
      %mul3A_578 = arith.muli %add3A_576, %mul3A_577 : i32
      %dma_wait3A_579 = arith.constant 7 : i32
      %dma_wait3A_580 = arith.constant 0 : i32
      %dma_wait3A_581 = arith.constant 0 : i32
      %dma_wait3A_582 = tpu.memref_slice %arg6[%dma_wait3A_579, %dma_wait3A_580, %dma_wait3A_581] : memref<10x128x64xf32, #tpu.memory_space<vmem>> -> memref<1x128x64xf32, #tpu.memory_space<vmem>>
      %dma_wait3A_583 = tpu.memref_squeeze %dma_wait3A_582 : memref<1x128x64xf32, #tpu.memory_space<vmem>> -> memref<128x64xf32, #tpu.memory_space<vmem>>
      %dma_wait3A_584 = arith.constant 0 : i32
      %dma_wait3A_585 = tpu.memref_slice %arg4[%mul3A_578, %dma_wait3A_584] : memref<204800x64xf32, #tpu.memory_space<hbm>> -> memref<128x64xf32, #tpu.memory_space<hbm>>
      %dma_wait3A_586 = arith.constant 0 : i32
      %dma_wait3A_587 = tpu.memref_slice %arg4[%mul3A_578, %dma_wait3A_586] : memref<204800x64xf32, #tpu.memory_space<hbm>> -> memref<128x64xf32, #tpu.memory_space<hbm>>
      %dma_wait3A_588 = arith.constant 0 : i32
      %dma_wait3A_589 = arith.constant 0 : i32
      %dma_wait3A_590 = tpu.memref_slice %arg6[%dma_wait3A_579, %dma_wait3A_588, %dma_wait3A_589] : memref<10x128x64xf32, #tpu.memory_space<vmem>> -> memref<1x128x64xf32, #tpu.memory_space<vmem>>
      %dma_wait3A_591 = tpu.memref_squeeze %dma_wait3A_590 : memref<1x128x64xf32, #tpu.memory_space<vmem>> -> memref<128x64xf32, #tpu.memory_space<vmem>>
      tpu.wait_dma2 semaphore(%arg8 : memref<!tpu.dma_semaphore, #tpu.memory_space<semaphore_mem>>) src(%dma_wait3A_591 : memref<128x64xf32, #tpu.memory_space<vmem>>) dst(%dma_wait3A_587 : memref<128x64xf32, #tpu.memory_space<hbm>>)
      %add3A_592 = arith.addi %mul3A_2, %mul3A_9 : i32
      %add3A_593 = arith.constant 8 : i32
      %add3A_594 = arith.addi %add3A_592, %add3A_593 : i32
      %mul3A_595 = arith.constant 128 : i32
      %mul3A_596 = arith.muli %add3A_594, %mul3A_595 : i32
      %dma_wait3A_597 = arith.constant 8 : i32
      %dma_wait3A_598 = arith.constant 0 : i32
      %dma_wait3A_599 = arith.constant 0 : i32
      %dma_wait3A_600 = tpu.memref_slice %arg6[%dma_wait3A_597, %dma_wait3A_598, %dma_wait3A_599] : memref<10x128x64xf32, #tpu.memory_space<vmem>> -> memref<1x128x64xf32, #tpu.memory_space<vmem>>
      %dma_wait3A_601 = tpu.memref_squeeze %dma_wait3A_600 : memref<1x128x64xf32, #tpu.memory_space<vmem>> -> memref<128x64xf32, #tpu.memory_space<vmem>>
      %dma_wait3A_602 = arith.constant 0 : i32
      %dma_wait3A_603 = tpu.memref_slice %arg4[%mul3A_596, %dma_wait3A_602] : memref<204800x64xf32, #tpu.memory_space<hbm>> -> memref<128x64xf32, #tpu.memory_space<hbm>>
      %dma_wait3A_604 = arith.constant 0 : i32
      %dma_wait3A_605 = tpu.memref_slice %arg4[%mul3A_596, %dma_wait3A_604] : memref<204800x64xf32, #tpu.memory_space<hbm>> -> memref<128x64xf32, #tpu.memory_space<hbm>>
      %dma_wait3A_606 = arith.constant 0 : i32
      %dma_wait3A_607 = arith.constant 0 : i32
      %dma_wait3A_608 = tpu.memref_slice %arg6[%dma_wait3A_597, %dma_wait3A_606, %dma_wait3A_607] : memref<10x128x64xf32, #tpu.memory_space<vmem>> -> memref<1x128x64xf32, #tpu.memory_space<vmem>>
      %dma_wait3A_609 = tpu.memref_squeeze %dma_wait3A_608 : memref<1x128x64xf32, #tpu.memory_space<vmem>> -> memref<128x64xf32, #tpu.memory_space<vmem>>
      tpu.wait_dma2 semaphore(%arg8 : memref<!tpu.dma_semaphore, #tpu.memory_space<semaphore_mem>>) src(%dma_wait3A_609 : memref<128x64xf32, #tpu.memory_space<vmem>>) dst(%dma_wait3A_605 : memref<128x64xf32, #tpu.memory_space<hbm>>)
      %add3A_610 = arith.addi %mul3A_2, %mul3A_9 : i32
      %add3A_611 = arith.constant 9 : i32
      %add3A_612 = arith.addi %add3A_610, %add3A_611 : i32
      %mul3A_613 = arith.constant 128 : i32
      %mul3A_614 = arith.muli %add3A_612, %mul3A_613 : i32
      %dma_wait3A_615 = arith.constant 9 : i32
      %dma_wait3A_616 = arith.constant 0 : i32
      %dma_wait3A_617 = arith.constant 0 : i32
      %dma_wait3A_618 = tpu.memref_slice %arg6[%dma_wait3A_615, %dma_wait3A_616, %dma_wait3A_617] : memref<10x128x64xf32, #tpu.memory_space<vmem>> -> memref<1x128x64xf32, #tpu.memory_space<vmem>>
      %dma_wait3A_619 = tpu.memref_squeeze %dma_wait3A_618 : memref<1x128x64xf32, #tpu.memory_space<vmem>> -> memref<128x64xf32, #tpu.memory_space<vmem>>
      %dma_wait3A_620 = arith.constant 0 : i32
      %dma_wait3A_621 = tpu.memref_slice %arg4[%mul3A_614, %dma_wait3A_620] : memref<204800x64xf32, #tpu.memory_space<hbm>> -> memref<128x64xf32, #tpu.memory_space<hbm>>
      %dma_wait3A_622 = arith.constant 0 : i32
      %dma_wait3A_623 = tpu.memref_slice %arg4[%mul3A_614, %dma_wait3A_622] : memref<204800x64xf32, #tpu.memory_space<hbm>> -> memref<128x64xf32, #tpu.memory_space<hbm>>
      %dma_wait3A_624 = arith.constant 0 : i32
      %dma_wait3A_625 = arith.constant 0 : i32
      %dma_wait3A_626 = tpu.memref_slice %arg6[%dma_wait3A_615, %dma_wait3A_624, %dma_wait3A_625] : memref<10x128x64xf32, #tpu.memory_space<vmem>> -> memref<1x128x64xf32, #tpu.memory_space<vmem>>
      %dma_wait3A_627 = tpu.memref_squeeze %dma_wait3A_626 : memref<1x128x64xf32, #tpu.memory_space<vmem>> -> memref<128x64xf32, #tpu.memory_space<vmem>>
      tpu.wait_dma2 semaphore(%arg8 : memref<!tpu.dma_semaphore, #tpu.memory_space<semaphore_mem>>) src(%dma_wait3A_627 : memref<128x64xf32, #tpu.memory_space<vmem>>) dst(%dma_wait3A_623 : memref<128x64xf32, #tpu.memory_space<hbm>>)
    }
    %scan3A_6 = arith.constant 5 : i32
    return
  }
}

module attributes {stable_mosaic.version = 14 : i64} {
  func.func @_encoder_body(%arg0: i32, %arg1: memref<64x200x64xf32, #tpu.memory_space<vmem>>, %arg2: memref<64x128xf32, #tpu.memory_space<vmem>>, %arg3: memref<128xf32, #tpu.memory_space<vmem>>, %arg4: memref<128x64xf32, #tpu.memory_space<vmem>>, %arg5: memref<64xf32, #tpu.memory_space<vmem>>, %arg6: memref<64xf32, #tpu.memory_space<vmem>>, %arg7: memref<64xf32, #tpu.memory_space<vmem>>, %arg8: memref<64x128xf32, #tpu.memory_space<vmem>>, %arg9: memref<128xf32, #tpu.memory_space<vmem>>, %arg10: memref<64x64xf32, #tpu.memory_space<vmem>>, %arg11: memref<64xf32, #tpu.memory_space<vmem>>, %arg12: memref<64x64xf32, #tpu.memory_space<vmem>>) attributes {dimension_semantics = [#tpu.dimension_semantics<arbitrary>], iteration_bounds = array<i64: 16>, scalar_prefetch = 0 : i64, scratch_operands = 0 : i64, tpu.core_type = #tpu.core_type<tc>, window_params = [{transform_indices = @transform_0, window_bounds = array<i64: 64, 200, 64>}, {pipeline_mode = #tpu.pipeline_mode<synchronous>, transform_indices = @transform_1, window_bounds = array<i64: 64, 128>}, {pipeline_mode = #tpu.pipeline_mode<synchronous>, transform_indices = @transform_2, window_bounds = array<i64: 128>}, {pipeline_mode = #tpu.pipeline_mode<synchronous>, transform_indices = @transform_3, window_bounds = array<i64: 128, 64>}, {pipeline_mode = #tpu.pipeline_mode<synchronous>, transform_indices = @transform_4, window_bounds = array<i64: 64>}, {pipeline_mode = #tpu.pipeline_mode<synchronous>, transform_indices = @transform_5, window_bounds = array<i64: 64>}, {pipeline_mode = #tpu.pipeline_mode<synchronous>, transform_indices = @transform_6, window_bounds = array<i64: 64>}, {pipeline_mode = #tpu.pipeline_mode<synchronous>, transform_indices = @transform_7, window_bounds = array<i64: 64, 128>}, {pipeline_mode = #tpu.pipeline_mode<synchronous>, transform_indices = @transform_8, window_bounds = array<i64: 128>}, {pipeline_mode = #tpu.pipeline_mode<synchronous>, transform_indices = @transform_9, window_bounds = array<i64: 64, 64>}, {pipeline_mode = #tpu.pipeline_mode<synchronous>, transform_indices = @transform_10, window_bounds = array<i64: 64>}, {transform_indices = @transform_11, window_bounds = array<i64: 64, 64>}]} {
    %get3A = arith.constant 0 : index
    %get3A_0 = arith.constant 0 : index
    %get3A_1 = arith.constant 0 : index
    %get3A_2 = vector.load %arg1[%get3A, %get3A_0, %get3A_1] : memref<64x200x64xf32, #tpu.memory_space<vmem>>, vector<64x200x64xf32>
    %reshape3A = vector.shape_cast %get3A_2 : vector<64x200x64xf32> to vector<12800x64xf32>
    %get3A_3 = arith.constant 0 : index
    %get3A_4 = arith.constant 0 : index
    %get3A_5 = vector.load %arg2[%get3A_3, %get3A_4] : memref<64x128xf32, #tpu.memory_space<vmem>>, vector<64x128xf32>
    %dot_general3A = arith.constant dense<0.000000e+00> : vector<12800x128xf32>
    %dot_general3A_6 = tpu.matmul %reshape3A, %get3A_5, %dot_general3A {dimension_numbers = #tpu.dot_dimension_numbers<[1], [0], [0], [1], [0, 0, 1, 1], [], []>, transpose_lhs_hint = false} : vector<12800x64xf32>, vector<64x128xf32>, vector<12800x128xf32> -> vector<12800x128xf32>
    %get3A_7 = arith.constant 0 : index
    %get3A_8 = vector.load %arg3[%get3A_7] : memref<128xf32, #tpu.memory_space<vmem>>, vector<128xf32>
    %broadcast_in_dim3A = vector.shape_cast %get3A_8 : vector<128xf32> to vector<1x128xf32>
    %add3A = vector.broadcast %broadcast_in_dim3A : vector<1x128xf32> to vector<12800x128xf32>
    %add3A_9 = arith.addf %dot_general3A_6, %add3A : vector<12800x128xf32>
    %max3A = arith.constant 0.000000e+00 : f32
    %max3A_10 = vector.broadcast %max3A : f32 to vector<12800x128xf32>
    %max3A_11 = arith.maximumf %add3A_9, %max3A_10 : vector<12800x128xf32>
    %get3A_12 = arith.constant 0 : index
    %get3A_13 = arith.constant 0 : index
    %get3A_14 = vector.load %arg4[%get3A_12, %get3A_13] : memref<128x64xf32, #tpu.memory_space<vmem>>, vector<128x64xf32>
    %dot_general3A_15 = arith.constant dense<0.000000e+00> : vector<12800x64xf32>
    %dot_general3A_16 = tpu.matmul %max3A_11, %get3A_14, %dot_general3A_15 {dimension_numbers = #tpu.dot_dimension_numbers<[1], [0], [0], [1], [0, 0, 1, 1], [], []>, transpose_lhs_hint = false} : vector<12800x128xf32>, vector<128x64xf32>, vector<12800x64xf32> -> vector<12800x64xf32>
    %get3A_17 = arith.constant 0 : index
    %get3A_18 = vector.load %arg5[%get3A_17] : memref<64xf32, #tpu.memory_space<vmem>>, vector<64xf32>
    %broadcast_in_dim3A_19 = vector.shape_cast %get3A_18 : vector<64xf32> to vector<1x64xf32>
    %add3A_20 = vector.broadcast %broadcast_in_dim3A_19 : vector<1x64xf32> to vector<12800x64xf32>
    %add3A_21 = arith.addf %dot_general3A_16, %add3A_20 : vector<12800x64xf32>
    %add3A_22 = arith.addf %reshape3A, %add3A_21 : vector<12800x64xf32>
    %reduce_sum3A = arith.constant dense<0.000000e+00> : vector<12800xf32>
    %reduce_sum3A_23 = vector.multi_reduction <add>, %add3A_22, %reduce_sum3A [1] : vector<12800x64xf32> to vector<12800xf32>
    %broadcast_in_dim3A_24 = vector.shape_cast %reduce_sum3A_23 : vector<12800xf32> to vector<12800x1xf32>
    %div3A = arith.constant 6.400000e+01 : f32
    %div3A_25 = vector.broadcast %div3A : f32 to vector<12800x1xf32>
    %div3A_26 = arith.divf %broadcast_in_dim3A_24, %div3A_25 : vector<12800x1xf32>
    %sub3A = vector.broadcast %div3A_26 : vector<12800x1xf32> to vector<12800x64xf32>
    %sub3A_27 = arith.subf %add3A_22, %sub3A : vector<12800x64xf32>
    %integer_pow3A = arith.mulf %sub3A_27, %sub3A_27 : vector<12800x64xf32>
    %reduce_sum3A_28 = arith.constant dense<0.000000e+00> : vector<12800xf32>
    %reduce_sum3A_29 = vector.multi_reduction <add>, %integer_pow3A, %reduce_sum3A_28 [1] : vector<12800x64xf32> to vector<12800xf32>
    %broadcast_in_dim3A_30 = vector.shape_cast %reduce_sum3A_29 : vector<12800xf32> to vector<12800x1xf32>
    %div3A_31 = arith.constant 6.400000e+01 : f32
    %div3A_32 = vector.broadcast %div3A_31 : f32 to vector<12800x1xf32>
    %div3A_33 = arith.divf %broadcast_in_dim3A_30, %div3A_32 : vector<12800x1xf32>
    %sub3A_34 = vector.broadcast %div3A_26 : vector<12800x1xf32> to vector<12800x64xf32>
    %sub3A_35 = arith.subf %add3A_22, %sub3A_34 : vector<12800x64xf32>
    %add3A_36 = arith.constant 9.99999974E-6 : f32
    %add3A_37 = vector.broadcast %add3A_36 : f32 to vector<12800x1xf32>
    %add3A_38 = arith.addf %div3A_33, %add3A_37 : vector<12800x1xf32>
    %sqrt3A = math.sqrt %add3A_38 : vector<12800x1xf32>
    %div3A_39 = vector.broadcast %sqrt3A : vector<12800x1xf32> to vector<12800x64xf32>
    %div3A_40 = arith.divf %sub3A_35, %div3A_39 : vector<12800x64xf32>
    %get3A_41 = arith.constant 0 : index
    %get3A_42 = vector.load %arg6[%get3A_41] : memref<64xf32, #tpu.memory_space<vmem>>, vector<64xf32>
    %broadcast_in_dim3A_43 = vector.shape_cast %get3A_42 : vector<64xf32> to vector<1x64xf32>
    %mul3A = vector.broadcast %broadcast_in_dim3A_43 : vector<1x64xf32> to vector<12800x64xf32>
    %mul3A_44 = arith.mulf %div3A_40, %mul3A : vector<12800x64xf32>
    %get3A_45 = arith.constant 0 : index
    %get3A_46 = vector.load %arg7[%get3A_45] : memref<64xf32, #tpu.memory_space<vmem>>, vector<64xf32>
    %broadcast_in_dim3A_47 = vector.shape_cast %get3A_46 : vector<64xf32> to vector<1x64xf32>
    %add3A_48 = vector.broadcast %broadcast_in_dim3A_47 : vector<1x64xf32> to vector<12800x64xf32>
    %add3A_49 = arith.addf %mul3A_44, %add3A_48 : vector<12800x64xf32>
    %get3A_50 = arith.constant 0 : index
    %get3A_51 = arith.constant 0 : index
    %get3A_52 = vector.load %arg8[%get3A_50, %get3A_51] : memref<64x128xf32, #tpu.memory_space<vmem>>, vector<64x128xf32>
    %dot_general3A_53 = arith.constant dense<0.000000e+00> : vector<12800x128xf32>
    %dot_general3A_54 = tpu.matmul %add3A_49, %get3A_52, %dot_general3A_53 {dimension_numbers = #tpu.dot_dimension_numbers<[1], [0], [0], [1], [0, 0, 1, 1], [], []>, transpose_lhs_hint = false} : vector<12800x64xf32>, vector<64x128xf32>, vector<12800x128xf32> -> vector<12800x128xf32>
    %get3A_55 = arith.constant 0 : index
    %get3A_56 = vector.load %arg9[%get3A_55] : memref<128xf32, #tpu.memory_space<vmem>>, vector<128xf32>
    %broadcast_in_dim3A_57 = vector.shape_cast %get3A_56 : vector<128xf32> to vector<1x128xf32>
    %add3A_58 = vector.broadcast %broadcast_in_dim3A_57 : vector<1x128xf32> to vector<12800x128xf32>
    %add3A_59 = arith.addf %dot_general3A_54, %add3A_58 : vector<12800x128xf32>
    %reduce_sum3A_60 = arith.constant dense<0.000000e+00> : vector<12800xf32>
    %reduce_sum3A_61 = vector.multi_reduction <add>, %add3A_59, %reduce_sum3A_60 [1] : vector<12800x128xf32> to vector<12800xf32>
    %div3A_62 = arith.constant 1.280000e+02 : f32
    %div3A_63 = vector.broadcast %div3A_62 : f32 to vector<12800xf32>
    %div3A_64 = arith.divf %reduce_sum3A_61, %div3A_63 : vector<12800xf32>
    %reshape3A_65 = vector.shape_cast %div3A_64 : vector<12800xf32> to vector<64x200xf32>
    %iota3A = tpu.iota {dimensions = array<i32: 1>} : vector<64x200xi32>
    %ge3A = arith.constant 199 : i32
    %ge3A_66 = vector.broadcast %ge3A : i32 to vector<64x200xi32>
    %ge3A_67 = arith.cmpi sge, %iota3A, %ge3A_66 : vector<64x200xi32>
    %jit3A = arith.constant -1.000000e+30 : f32
    %broadcast_in_dim3A_68 = vector.broadcast %jit3A : f32 to vector<64x200xf32>
    %select_n3A = arith.select %ge3A_67, %broadcast_in_dim3A_68, %reshape3A_65 : vector<64x200xi1>, vector<64x200xf32>
    %reshape3A_69 = vector.shape_cast %add3A_49 : vector<12800x64xf32> to vector<64x200x64xf32>
    %slice3A = vector.extract_strided_slice %reshape3A_69 {offsets = [0, 199, 0], sizes = [64, 1, 64], strides = [1, 1, 1]} : vector<64x200x64xf32> to vector<64x1x64xf32>
    %squeeze3A = vector.shape_cast %slice3A : vector<64x1x64xf32> to vector<64x64xf32>
    %get3A_70 = arith.constant 0 : index
    %get3A_71 = arith.constant 0 : index
    %get3A_72 = vector.load %arg10[%get3A_70, %get3A_71] : memref<64x64xf32, #tpu.memory_space<vmem>>, vector<64x64xf32>
    %dot_general3A_73 = arith.constant dense<0.000000e+00> : vector<64x64xf32>
    %dot_general3A_74 = tpu.matmul %squeeze3A, %get3A_72, %dot_general3A_73 {dimension_numbers = #tpu.dot_dimension_numbers<[1], [0], [0], [1], [0, 0, 1, 1], [], []>, transpose_lhs_hint = false} : vector<64x64xf32>, vector<64x64xf32>, vector<64x64xf32> -> vector<64x64xf32>
    %get3A_75 = arith.constant 0 : index
    %get3A_76 = vector.load %arg11[%get3A_75] : memref<64xf32, #tpu.memory_space<vmem>>, vector<64xf32>
    %broadcast_in_dim3A_77 = vector.shape_cast %get3A_76 : vector<64xf32> to vector<1x64xf32>
    %add3A_78 = vector.broadcast %broadcast_in_dim3A_77 : vector<1x64xf32> to vector<64x64xf32>
    %add3A_79 = arith.addf %dot_general3A_74, %add3A_78 : vector<64x64xf32>
    %convert_element_type3A = arith.truncf %reshape3A_69 : vector<64x200x64xf32> to vector<64x200x64xbf16>
    %convert_element_type3A_80 = arith.extf %convert_element_type3A : vector<64x200x64xbf16> to vector<64x200x64xf32>
    %convert_element_type3A_81 = arith.truncf %add3A_79 : vector<64x64xf32> to vector<64x64xbf16>
    %convert_element_type3A_82 = arith.extf %convert_element_type3A_81 : vector<64x64xbf16> to vector<64x64xf32>
    %broadcast_in_dim3A_83 = vector.shape_cast %convert_element_type3A_82 : vector<64x64xf32> to vector<64x1x64xf32>
    %mul3A_84 = vector.broadcast %broadcast_in_dim3A_83 : vector<64x1x64xf32> to vector<64x200x64xf32>
    %mul3A_85 = arith.mulf %convert_element_type3A_80, %mul3A_84 : vector<64x200x64xf32>
    %reduce_sum3A_86 = arith.constant dense<0.000000e+00> : vector<64x200xf32>
    %reduce_sum3A_87 = vector.multi_reduction <add>, %mul3A_85, %reduce_sum3A_86 [2] : vector<64x200x64xf32> to vector<64x200xf32>
    %reduce_max3A = arith.constant dense<0xFF800000> : vector<64xf32>
    %reduce_max3A_88 = vector.multi_reduction <maximumf>, %select_n3A, %reduce_max3A [1] : vector<64x200xf32> to vector<64xf32>
    %broadcast_in_dim3A_89 = vector.shape_cast %reduce_max3A_88 : vector<64xf32> to vector<64x1xf32>
    %eq3A = vector.broadcast %broadcast_in_dim3A_89 : vector<64x1xf32> to vector<64x200xf32>
    %eq3A_90 = arith.cmpf oeq, %select_n3A, %eq3A : vector<64x200xf32>
    %jit3A_91 = arith.constant 400 : i32
    %broadcast_in_dim3A_92 = vector.broadcast %jit3A_91 : i32 to vector<64x200xi32>
    %select_n3A_93 = arith.select %eq3A_90, %iota3A, %broadcast_in_dim3A_92 : vector<64x200xi1>, vector<64x200xi32>
    %reduce_min3A = arith.constant dense<2147483647> : vector<64xi32>
    %reduce_min3A_94 = vector.multi_reduction <minsi>, %select_n3A_93, %reduce_min3A [1] : vector<64x200xi32> to vector<64xi32>
    %broadcast_in_dim3A_95 = vector.shape_cast %reduce_min3A_94 : vector<64xi32> to vector<64x1xi32>
    %eq3A_96 = vector.broadcast %broadcast_in_dim3A_95 : vector<64x1xi32> to vector<64x200xi32>
    %eq3A_97 = arith.cmpi eq, %iota3A, %eq3A_96 : vector<64x200xi32>
    %jit3A_98 = arith.constant 0.000000e+00 : f32
    %broadcast_in_dim3A_99 = vector.broadcast %jit3A_98 : f32 to vector<64x200xf32>
    %select_n3A_100 = arith.select %eq3A_97, %reduce_sum3A_87, %broadcast_in_dim3A_99 : vector<64x200xi1>, vector<64x200xf32>
    %reduce_sum3A_101 = arith.constant dense<0.000000e+00> : vector<64xf32>
    %reduce_sum3A_102 = vector.multi_reduction <add>, %select_n3A_100, %reduce_sum3A_101 [1] : vector<64x200xf32> to vector<64xf32>
    %jit3A_103 = arith.constant -1.000000e+30 : f32
    %broadcast_in_dim3A_104 = vector.broadcast %jit3A_103 : f32 to vector<64x200xf32>
    %select_n3A_105 = arith.select %eq3A_97, %broadcast_in_dim3A_104, %select_n3A : vector<64x200xi1>, vector<64x200xf32>
    %reduce_max3A_106 = arith.constant dense<0xFF800000> : vector<64xf32>
    %reduce_max3A_107 = vector.multi_reduction <maximumf>, %select_n3A_105, %reduce_max3A_106 [1] : vector<64x200xf32> to vector<64xf32>
    %broadcast_in_dim3A_108 = vector.shape_cast %reduce_max3A_107 : vector<64xf32> to vector<64x1xf32>
    %eq3A_109 = vector.broadcast %broadcast_in_dim3A_108 : vector<64x1xf32> to vector<64x200xf32>
    %eq3A_110 = arith.cmpf oeq, %select_n3A_105, %eq3A_109 : vector<64x200xf32>
    %jit3A_111 = arith.constant 400 : i32
    %broadcast_in_dim3A_112 = vector.broadcast %jit3A_111 : i32 to vector<64x200xi32>
    %select_n3A_113 = arith.select %eq3A_110, %iota3A, %broadcast_in_dim3A_112 : vector<64x200xi1>, vector<64x200xi32>
    %reduce_min3A_114 = arith.constant dense<2147483647> : vector<64xi32>
    %reduce_min3A_115 = vector.multi_reduction <minsi>, %select_n3A_113, %reduce_min3A_114 [1] : vector<64x200xi32> to vector<64xi32>
    %broadcast_in_dim3A_116 = vector.shape_cast %reduce_min3A_115 : vector<64xi32> to vector<64x1xi32>
    %eq3A_117 = vector.broadcast %broadcast_in_dim3A_116 : vector<64x1xi32> to vector<64x200xi32>
    %eq3A_118 = arith.cmpi eq, %iota3A, %eq3A_117 : vector<64x200xi32>
    %jit3A_119 = arith.constant 0.000000e+00 : f32
    %broadcast_in_dim3A_120 = vector.broadcast %jit3A_119 : f32 to vector<64x200xf32>
    %select_n3A_121 = arith.select %eq3A_118, %reduce_sum3A_87, %broadcast_in_dim3A_120 : vector<64x200xi1>, vector<64x200xf32>
    %reduce_sum3A_122 = arith.constant dense<0.000000e+00> : vector<64xf32>
    %reduce_sum3A_123 = vector.multi_reduction <add>, %select_n3A_121, %reduce_sum3A_122 [1] : vector<64x200xf32> to vector<64xf32>
    %jit3A_124 = arith.constant -1.000000e+30 : f32
    %broadcast_in_dim3A_125 = vector.broadcast %jit3A_124 : f32 to vector<64x200xf32>
    %select_n3A_126 = arith.select %eq3A_118, %broadcast_in_dim3A_125, %select_n3A_105 : vector<64x200xi1>, vector<64x200xf32>
    %reduce_max3A_127 = arith.constant dense<0xFF800000> : vector<64xf32>
    %reduce_max3A_128 = vector.multi_reduction <maximumf>, %select_n3A_126, %reduce_max3A_127 [1] : vector<64x200xf32> to vector<64xf32>
    %broadcast_in_dim3A_129 = vector.shape_cast %reduce_max3A_128 : vector<64xf32> to vector<64x1xf32>
    %eq3A_130 = vector.broadcast %broadcast_in_dim3A_129 : vector<64x1xf32> to vector<64x200xf32>
    %eq3A_131 = arith.cmpf oeq, %select_n3A_126, %eq3A_130 : vector<64x200xf32>
    %jit3A_132 = arith.constant 400 : i32
    %broadcast_in_dim3A_133 = vector.broadcast %jit3A_132 : i32 to vector<64x200xi32>
    %select_n3A_134 = arith.select %eq3A_131, %iota3A, %broadcast_in_dim3A_133 : vector<64x200xi1>, vector<64x200xi32>
    %reduce_min3A_135 = arith.constant dense<2147483647> : vector<64xi32>
    %reduce_min3A_136 = vector.multi_reduction <minsi>, %select_n3A_134, %reduce_min3A_135 [1] : vector<64x200xi32> to vector<64xi32>
    %broadcast_in_dim3A_137 = vector.shape_cast %reduce_min3A_136 : vector<64xi32> to vector<64x1xi32>
    %eq3A_138 = vector.broadcast %broadcast_in_dim3A_137 : vector<64x1xi32> to vector<64x200xi32>
    %eq3A_139 = arith.cmpi eq, %iota3A, %eq3A_138 : vector<64x200xi32>
    %jit3A_140 = arith.constant 0.000000e+00 : f32
    %broadcast_in_dim3A_141 = vector.broadcast %jit3A_140 : f32 to vector<64x200xf32>
    %select_n3A_142 = arith.select %eq3A_139, %reduce_sum3A_87, %broadcast_in_dim3A_141 : vector<64x200xi1>, vector<64x200xf32>
    %reduce_sum3A_143 = arith.constant dense<0.000000e+00> : vector<64xf32>
    %reduce_sum3A_144 = vector.multi_reduction <add>, %select_n3A_142, %reduce_sum3A_143 [1] : vector<64x200xf32> to vector<64xf32>
    %jit3A_145 = arith.constant -1.000000e+30 : f32
    %broadcast_in_dim3A_146 = vector.broadcast %jit3A_145 : f32 to vector<64x200xf32>
    %select_n3A_147 = arith.select %eq3A_139, %broadcast_in_dim3A_146, %select_n3A_126 : vector<64x200xi1>, vector<64x200xf32>
    %reduce_max3A_148 = arith.constant dense<0xFF800000> : vector<64xf32>
    %reduce_max3A_149 = vector.multi_reduction <maximumf>, %select_n3A_147, %reduce_max3A_148 [1] : vector<64x200xf32> to vector<64xf32>
    %broadcast_in_dim3A_150 = vector.shape_cast %reduce_max3A_149 : vector<64xf32> to vector<64x1xf32>
    %eq3A_151 = vector.broadcast %broadcast_in_dim3A_150 : vector<64x1xf32> to vector<64x200xf32>
    %eq3A_152 = arith.cmpf oeq, %select_n3A_147, %eq3A_151 : vector<64x200xf32>
    %jit3A_153 = arith.constant 400 : i32
    %broadcast_in_dim3A_154 = vector.broadcast %jit3A_153 : i32 to vector<64x200xi32>
    %select_n3A_155 = arith.select %eq3A_152, %iota3A, %broadcast_in_dim3A_154 : vector<64x200xi1>, vector<64x200xi32>
    %reduce_min3A_156 = arith.constant dense<2147483647> : vector<64xi32>
    %reduce_min3A_157 = vector.multi_reduction <minsi>, %select_n3A_155, %reduce_min3A_156 [1] : vector<64x200xi32> to vector<64xi32>
    %broadcast_in_dim3A_158 = vector.shape_cast %reduce_min3A_157 : vector<64xi32> to vector<64x1xi32>
    %eq3A_159 = vector.broadcast %broadcast_in_dim3A_158 : vector<64x1xi32> to vector<64x200xi32>
    %eq3A_160 = arith.cmpi eq, %iota3A, %eq3A_159 : vector<64x200xi32>
    %jit3A_161 = arith.constant 0.000000e+00 : f32
    %broadcast_in_dim3A_162 = vector.broadcast %jit3A_161 : f32 to vector<64x200xf32>
    %select_n3A_163 = arith.select %eq3A_160, %reduce_sum3A_87, %broadcast_in_dim3A_162 : vector<64x200xi1>, vector<64x200xf32>
    %reduce_sum3A_164 = arith.constant dense<0.000000e+00> : vector<64xf32>
    %reduce_sum3A_165 = vector.multi_reduction <add>, %select_n3A_163, %reduce_sum3A_164 [1] : vector<64x200xf32> to vector<64xf32>
    %stack3A = vector.shape_cast %reduce_sum3A_102 : vector<64xf32> to vector<64x1xf32>
    %stack3A_166 = vector.shape_cast %reduce_sum3A_123 : vector<64xf32> to vector<64x1xf32>
    %stack3A_167 = vector.shape_cast %reduce_sum3A_144 : vector<64xf32> to vector<64x1xf32>
    %stack3A_168 = vector.shape_cast %reduce_sum3A_165 : vector<64xf32> to vector<64x1xf32>
    %stack3A_169 = tpu.concatenate %stack3A, %stack3A_166, %stack3A_167, %stack3A_168 in 1 : vector<64x1xf32>, vector<64x1xf32>, vector<64x1xf32>, vector<64x1xf32> -> vector<64x4xf32>
    %reduce_max3A_170 = arith.constant dense<0xFF800000> : vector<64xf32>
    %reduce_max3A_171 = vector.multi_reduction <maximumf>, %stack3A_169, %reduce_max3A_170 [1] : vector<64x4xf32> to vector<64xf32>
    %max3A_172 = arith.constant 0.000000e+00 : f32
    %max3A_173 = vector.broadcast %max3A_172 : f32 to vector<64xf32>
    %max3A_174 = arith.maximumf %reduce_max3A_171, %max3A_173 : vector<64xf32>
    %broadcast_in_dim3A_175 = vector.shape_cast %max3A_174 : vector<64xf32> to vector<64x1xf32>
    %sub3A_176 = vector.broadcast %broadcast_in_dim3A_175 : vector<64x1xf32> to vector<64x4xf32>
    %sub3A_177 = arith.subf %stack3A_169, %sub3A_176 : vector<64x4xf32>
    %exp3A = math.exp %sub3A_177 : vector<64x4xf32>
    %reduce_sum3A_178 = arith.constant dense<0.000000e+00> : vector<64xf32>
    %reduce_sum3A_179 = vector.multi_reduction <add>, %exp3A, %reduce_sum3A_178 [1] : vector<64x4xf32> to vector<64xf32>
    %neg3A = arith.constant 0.000000e+00 : f32
    %neg3A_180 = vector.broadcast %neg3A : f32 to vector<64xf32>
    %neg3A_181 = arith.subf %neg3A_180, %max3A_174 : vector<64xf32>
    %exp3A_182 = math.exp %neg3A_181 : vector<64xf32>
    %mul3A_183 = arith.constant 1.240000e+02 : f32
    %mul3A_184 = vector.broadcast %mul3A_183 : f32 to vector<64xf32>
    %mul3A_185 = arith.mulf %mul3A_184, %exp3A_182 : vector<64xf32>
    %add3A_186 = arith.addf %reduce_sum3A_179, %mul3A_185 : vector<64xf32>
    %broadcast_in_dim3A_187 = vector.shape_cast %add3A_186 : vector<64xf32> to vector<64x1xf32>
    %div3A_188 = vector.broadcast %broadcast_in_dim3A_187 : vector<64x1xf32> to vector<64x4xf32>
    %div3A_189 = arith.divf %exp3A, %div3A_188 : vector<64x4xf32>
    %broadcast_in_dim3A_190 = arith.constant 0.000000e+00 : f32
    %broadcast_in_dim3A_191 = vector.broadcast %broadcast_in_dim3A_190 : f32 to vector<64x200xf32>
    %slice3A_192 = vector.extract_strided_slice %div3A_189 {offsets = [0, 0], sizes = [64, 1], strides = [1, 1]} : vector<64x4xf32> to vector<64x1xf32>
    %jit3A_193 = arith.constant 0.000000e+00 : f32
    %broadcast_in_dim3A_194 = vector.shape_cast %slice3A_192 : vector<64x1xf32> to vector<64x1xf32>
    %broadcast_in_dim3A_195 = vector.broadcast %broadcast_in_dim3A_194 : vector<64x1xf32> to vector<64x200xf32>
    %broadcast_in_dim3A_196 = vector.broadcast %jit3A_193 : f32 to vector<64x200xf32>
    %select_n3A_197 = arith.select %eq3A_97, %broadcast_in_dim3A_195, %broadcast_in_dim3A_196 : vector<64x200xi1>, vector<64x200xf32>
    %add3A_198 = arith.addf %broadcast_in_dim3A_191, %select_n3A_197 : vector<64x200xf32>
    %slice3A_199 = vector.extract_strided_slice %div3A_189 {offsets = [0, 1], sizes = [64, 1], strides = [1, 1]} : vector<64x4xf32> to vector<64x1xf32>
    %jit3A_200 = arith.constant 0.000000e+00 : f32
    %broadcast_in_dim3A_201 = vector.shape_cast %slice3A_199 : vector<64x1xf32> to vector<64x1xf32>
    %broadcast_in_dim3A_202 = vector.broadcast %broadcast_in_dim3A_201 : vector<64x1xf32> to vector<64x200xf32>
    %broadcast_in_dim3A_203 = vector.broadcast %jit3A_200 : f32 to vector<64x200xf32>
    %select_n3A_204 = arith.select %eq3A_118, %broadcast_in_dim3A_202, %broadcast_in_dim3A_203 : vector<64x200xi1>, vector<64x200xf32>
    %add3A_205 = arith.addf %add3A_198, %select_n3A_204 : vector<64x200xf32>
    %slice3A_206 = vector.extract_strided_slice %div3A_189 {offsets = [0, 2], sizes = [64, 1], strides = [1, 1]} : vector<64x4xf32> to vector<64x1xf32>
    %jit3A_207 = arith.constant 0.000000e+00 : f32
    %broadcast_in_dim3A_208 = vector.shape_cast %slice3A_206 : vector<64x1xf32> to vector<64x1xf32>
    %broadcast_in_dim3A_209 = vector.broadcast %broadcast_in_dim3A_208 : vector<64x1xf32> to vector<64x200xf32>
    %broadcast_in_dim3A_210 = vector.broadcast %jit3A_207 : f32 to vector<64x200xf32>
    %select_n3A_211 = arith.select %eq3A_139, %broadcast_in_dim3A_209, %broadcast_in_dim3A_210 : vector<64x200xi1>, vector<64x200xf32>
    %add3A_212 = arith.addf %add3A_205, %select_n3A_211 : vector<64x200xf32>
    %slice3A_213 = vector.extract_strided_slice %div3A_189 {offsets = [0, 3], sizes = [64, 1], strides = [1, 1]} : vector<64x4xf32> to vector<64x1xf32>
    %jit3A_214 = arith.constant 0.000000e+00 : f32
    %broadcast_in_dim3A_215 = vector.shape_cast %slice3A_213 : vector<64x1xf32> to vector<64x1xf32>
    %broadcast_in_dim3A_216 = vector.broadcast %broadcast_in_dim3A_215 : vector<64x1xf32> to vector<64x200xf32>
    %broadcast_in_dim3A_217 = vector.broadcast %jit3A_214 : f32 to vector<64x200xf32>
    %select_n3A_218 = arith.select %eq3A_160, %broadcast_in_dim3A_216, %broadcast_in_dim3A_217 : vector<64x200xi1>, vector<64x200xf32>
    %add3A_219 = arith.addf %add3A_212, %select_n3A_218 : vector<64x200xf32>
    %broadcast_in_dim3A_220 = vector.shape_cast %add3A_219 : vector<64x200xf32> to vector<64x200x1xf32>
    %mul3A_221 = vector.broadcast %broadcast_in_dim3A_220 : vector<64x200x1xf32> to vector<64x200x64xf32>
    %mul3A_222 = arith.mulf %mul3A_221, %reshape3A_69 : vector<64x200x64xf32>
    %reduce_sum3A_223 = arith.constant dense<0.000000e+00> : vector<64x64xf32>
    %reduce_sum3A_224 = vector.multi_reduction <add>, %mul3A_222, %reduce_sum3A_223 [1] : vector<64x200x64xf32> to vector<64x64xf32>
    %swap3A = arith.constant 0 : index
    %swap3A_225 = arith.constant 0 : index
    %swap3A_226 = vector.load %arg12[%swap3A, %swap3A_225] : memref<64x64xf32, #tpu.memory_space<vmem>>, vector<64x64xf32>
    tpu.vector_store %arg12[%swap3A, %swap3A_225], %reduce_sum3A_224 {strides = array<i32>} : memref<64x64xf32, #tpu.memory_space<vmem>>, vector<64x64xf32>,
    return
  }
  func.func @transform_0(%arg0: i32) -> (i32, i32, i32) {
    %c0_i32 = arith.constant 0 : i32
    %c0_i32_0 = arith.constant 0 : i32
    %c0_i32_1 = arith.constant 0 : i32
    return %arg0, %c0_i32, %c0_i32_0 : i32, i32, i32
  }
  func.func @transform_1(%arg0: i32) -> (i32, i32) {
    %c0_i32 = arith.constant 0 : i32
    %c0_i32_0 = arith.constant 0 : i32
    %c0_i32_1 = arith.constant 0 : i32
    return %c0_i32, %c0_i32_0 : i32, i32
  }
  func.func @transform_2(%arg0: i32) -> i32 {
    %c0_i32 = arith.constant 0 : i32
    %c0_i32_0 = arith.constant 0 : i32
    return %c0_i32 : i32
  }
  func.func @transform_3(%arg0: i32) -> (i32, i32) {
    %c0_i32 = arith.constant 0 : i32
    %c0_i32_0 = arith.constant 0 : i32
    %c0_i32_1 = arith.constant 0 : i32
    return %c0_i32, %c0_i32_0 : i32, i32
  }
  func.func @transform_4(%arg0: i32) -> i32 {
    %c0_i32 = arith.constant 0 : i32
    %c0_i32_0 = arith.constant 0 : i32
    return %c0_i32 : i32
  }
  func.func @transform_5(%arg0: i32) -> i32 {
    %c0_i32 = arith.constant 0 : i32
    %c0_i32_0 = arith.constant 0 : i32
    return %c0_i32 : i32
  }
  func.func @transform_6(%arg0: i32) -> i32 {
    %c0_i32 = arith.constant 0 : i32
    %c0_i32_0 = arith.constant 0 : i32
    return %c0_i32 : i32
  }
  func.func @transform_7(%arg0: i32) -> (i32, i32) {
    %c0_i32 = arith.constant 0 : i32
    %c0_i32_0 = arith.constant 0 : i32
    %c0_i32_1 = arith.constant 0 : i32
    return %c0_i32, %c0_i32_0 : i32, i32
  }
  func.func @transform_8(%arg0: i32) -> i32 {
    %c0_i32 = arith.constant 0 : i32
    %c0_i32_0 = arith.constant 0 : i32
    return %c0_i32 : i32
  }
  func.func @transform_9(%arg0: i32) -> (i32, i32) {
    %c0_i32 = arith.constant 0 : i32
    %c0_i32_0 = arith.constant 0 : i32
    %c0_i32_1 = arith.constant 0 : i32
    return %c0_i32, %c0_i32_0 : i32, i32
  }
  func.func @transform_10(%arg0: i32) -> i32 {
    %c0_i32 = arith.constant 0 : i32
    %c0_i32_0 = arith.constant 0 : i32
    return %c0_i32 : i32
  }
  func.func @transform_11(%arg0: i32) -> (i32, i32) {
    %c0_i32 = arith.constant 0 : i32
    %c0_i32_0 = arith.constant 0 : i32
    return %arg0, %c0_i32 : i32, i32
  }
}

module attributes {stable_mosaic.version = 14 : i64} {
  func.func @_proj_body(%arg0: i32, %arg1: memref<1024x64xf32, #tpu.memory_space<vmem>>, %arg2: memref<64x2048xf32, #tpu.memory_space<vmem>>, %arg3: memref<1x2048xf32, #tpu.memory_space<vmem>>, %arg4: memref<1024x2048xf32, #tpu.memory_space<vmem>>) attributes {dimension_semantics = [#tpu.dimension_semantics<arbitrary>], iteration_bounds = array<i64: 49>, scalar_prefetch = 0 : i64, scratch_operands = 0 : i64, tpu.core_type = #tpu.core_type<tc>, window_params = [{pipeline_mode = #tpu.pipeline_mode<synchronous>, transform_indices = @transform_0, window_bounds = array<i64: 1024, 64>}, {transform_indices = @transform_1, window_bounds = array<i64: 64, 2048>}, {transform_indices = @transform_2, window_bounds = array<i64: 1, 2048>}, {transform_indices = @transform_3, window_bounds = array<i64: 1024, 2048>}]} {
    %get3A = arith.constant 0 : index
    %get3A_0 = arith.constant 0 : index
    %get3A_1 = vector.load %arg1[%get3A, %get3A_0] : memref<1024x64xf32, #tpu.memory_space<vmem>>, vector<1024x64xf32>
    %convert_element_type3A = arith.truncf %get3A_1 : vector<1024x64xf32> to vector<1024x64xbf16>
    %get3A_2 = arith.constant 0 : index
    %get3A_3 = arith.constant 0 : index
    %get3A_4 = vector.load %arg2[%get3A_2, %get3A_3] : memref<64x2048xf32, #tpu.memory_space<vmem>>, vector<64x2048xf32>
    %convert_element_type3A_5 = arith.truncf %get3A_4 : vector<64x2048xf32> to vector<64x2048xbf16>
    %dot_general3A = arith.constant dense<0.000000e+00> : vector<1024x2048xf32>
    %dot_general3A_6 = tpu.matmul %convert_element_type3A, %convert_element_type3A_5, %dot_general3A {dimension_numbers = #tpu.dot_dimension_numbers<[1], [0], [0], [1], [0, 0, 1, 1], [], []>, transpose_lhs_hint = false} : vector<1024x64xbf16>, vector<64x2048xbf16>, vector<1024x2048xf32> -> vector<1024x2048xf32>
    %get3A_7 = arith.constant 0 : index
    %get3A_8 = arith.constant 0 : index
    %get3A_9 = vector.load %arg3[%get3A_7, %get3A_8] : memref<1x2048xf32, #tpu.memory_space<vmem>>, vector<1x2048xf32>
    %add3A = vector.broadcast %get3A_9 : vector<1x2048xf32> to vector<1024x2048xf32>
    %add3A_10 = arith.addf %dot_general3A_6, %add3A : vector<1024x2048xf32>
    %swap3A = arith.constant 0 : index
    %swap3A_11 = arith.constant 0 : index
    %swap3A_12 = vector.load %arg4[%swap3A, %swap3A_11] : memref<1024x2048xf32, #tpu.memory_space<vmem>>, vector<1024x2048xf32>
    tpu.vector_store %arg4[%swap3A, %swap3A_11], %add3A_10 {strides = array<i32>} : memref<1024x2048xf32, #tpu.memory_space<vmem>>, vector<1024x2048xf32>,
    return
  }
  func.func @transform_0(%arg0: i32) -> (i32, i32) {
    %c0_i32 = arith.constant 0 : i32
    %c0_i32_0 = arith.constant 0 : i32
    %c0_i32_1 = arith.constant 0 : i32
    return %c0_i32, %c0_i32_0 : i32, i32
  }
  func.func @transform_1(%arg0: i32) -> (i32, i32) {
    %c0_i32 = arith.constant 0 : i32
    %c0_i32_0 = arith.constant 0 : i32
    return %c0_i32, %arg0 : i32, i32
  }
  func.func @transform_2(%arg0: i32) -> (i32, i32) {
    %c0_i32 = arith.constant 0 : i32
    %c0_i32_0 = arith.constant 0 : i32
    return %c0_i32, %arg0 : i32, i32
  }
  func.func @transform_3(%arg0: i32) -> (i32, i32) {
    %c0_i32 = arith.constant 0 : i32
    %c0_i32_0 = arith.constant 0 : i32
    return %c0_i32, %arg0 : i32, i32
  }
}

</mosaic_0001>

<sc_bundles>
// kernel: kernel.5.cloned.1.call-start
scs
__scs_entry_jumppad:
0x0: {  	(pc) =	sbr.rel $0x88, $3  }
0x1: {  	(tag) =	ssettag $0x0;
	lr =	simm.s32 $0x1  }
0x2: {  	[smem:$0x3F93] =	sst lr;
	_ =	strace $0xD0000000  }
0x3: {  	_ = 	snop  }
0x4: {  	_ = 	snop  }
0x5: {  	_ = 	snop  }
0x6: {  	_ = 	snop  }
0x7: {  	_ = 	snop  }
__scs_overlays_trampoline_lowered:
0x8: {  	[smem:$0x3FA2] =	sst s0  }
0x9: {  	[smem:$0x3FA3] =	sst s1  }
0xa: {  	[smem:$0x3FA4] =	sst s2  }
0xb: {  	[smem:$0x3FA5] =	sst s3  }
0xc: {  	[smem:$0x3FA6] =	sst s4  }
0xd: {  	[smem:$0x3FA7] =	sst s5  }
0xe: {  	[smem:$0x3FA8] =	sst s6  }
0xf: {  	[smem:$0x3FA9] =	sst s7  }
0x10: {  	[smem:$0x3FAA] =	sst s8  }
0x11: {  	[smem:$0x3FAB] =	sst s9;
	s0 =	simm.s32 @!p0 $0x0  }
0x12: {  	s1 =	sld [smem:$0x3F91];
	s0 =	simm.s32 @p0 $0x1  }
0x13: {  	[smem:$0x3FAC] =	sst s0;
	s0 =	simm.s32 @!p1 $0x0  }
0x14: {  	s2 =	sld [smem:$0x3F90];
	s0 =	simm.s32 @p1 $0x1  }
0x15: {  	[smem:$0x3FAD] =	sst s0;
	s0 =	simm.s32 @!p2 $0x0  }
0x16: {  	s3 =	sld [smem:$0x3FDB];
	s0 =	simm.s32 @p2 $0x1  }
0x17: {  	s4 =	simm.s32 $0x1BF5;
	[smem:$0x3FAF] =	sst s0  }
0x18: {  	s0 =	sld [smem:$0x3F92];
	_ =	swait.ge [sflag:s4], $0x0  }
0x19: {  	s7 =	sld [smem:$0x3F93]  }
0x1a: {  	s8 =	sadd.s32 $0xFFFFE003, lr  }
0x1b: {  	s9 =	sadd.s32 $0xFFFFFEF7, lr;
	s5 =	simm.s32 $0xFFFFFFFF;
	p2 =	slt.u32 s8, $0xFFFFF086  }
0x1c: {  	p1 =	slt.u32 s9, $0xF7A;
	s5 =	simm.s32 @!p2 $0x0  }
0x1d: {  	s5 =	simm.s32 @p1 $0x1;
	p0 =	seq.s32 s7, s2  }
0x1e: {  	s7 =	smul.u32 @!p0 $0xF7A, s2;
	p2 =	seq.s32 @!p0 s5, $0x0  }
0x1f: {  	s9 =	smul.u32 $0xF7A, s1;
	s8 =	simm.s32 @!p0 $0x1BF5;
	p2 =	por !p2, p0  }
0x20: {  	[sflag:s8] =	ssyncset.s32 @!p0 $0xFFFFF086;
	s6 =	sadd.s32 @!p0 s3, s7;
	s7 =	simm.s32 @!p0 $0x108  }
0x21: {  	s3 =	sadd.s32 s3, s9;
	s6 =	sadd.s32 @!p0 $0x88, s6;
	s7 =	simm.s32 @p2 $0x1082  }
0x22: {  	[simem:s7], [sflag:s8] =	dma.local @!p0 [hbm:s6], $0xF7A  }
0x23: {  	s9 =	sor.u32 $0xD0000000, s2;
	s6 =	simm.s32 $0x108;
	_ =	swait.ge @!p0 [sflag:s8], $0x0  }
0x24: {  	s3 =	sadd.s32 $0x88, s3;
	s6 =	simm.s32 @!p1 $0x1082;
	[sflag:s4] =	ssyncset.s32 $0xFFFFF086  }
0x25: {  	[simem:s6], [sflag:s4] =	dma.local [hbm:s3], $0xF7A  }
0x26: {  	[smem:$0x3F93] =	sst s1;
	(tag) =	ssettag s2;
	_ =	strace s9  }
0x27: {  	s1 =	sld [smem:$0x3FA3]  }
0x28: {  	s2 =	sld [smem:$0x3FA4]  }
0x29: {  	s4 =	sld [smem:$0x3FA6]  }
0x2a: {  	p0 =	seq.s32 s5, $0x0;
	s5 =	sld [smem:$0x3FA7]  }
0x2b: {  	s6 =	sld [smem:$0x3FA8]  }
0x2c: {  	s7 =	sld [smem:$0x3FA9]  }
0x2d: {  	s3 =	simm.s32 $0x108;
	s8 =	sld [smem:$0x3FAA]  }
0x2e: {  	s3 =	simm.s32 @!p0 $0x1082;
	s9 =	sld [smem:$0x3FAB]  }
0x2f: {  	lr =	sadd.s32 s0, s3;
	s0 =	sld [smem:$0x3FA2]  }
0x30: {  	s3 =	sld [smem:$0x3FA5]  }
0x31: {  	[smem:$0x3FAE] =	sst s10  }
0x32: {  	s10 =	sld [smem:$0x3FAC];
	_ =	sdelay $0x3  }
0x33: {  	p0 =	seq.s32 s10, $0x1;
	s10 =	sld [smem:$0x3FAE];
	_ =	sdelay $0x3  }
0x34: {  	[smem:$0x3FAE] =	sst s10  }
0x35: {  	s10 =	sld [smem:$0x3FAD];
	_ =	sdelay $0x3  }
0x36: {  	p1 =	seq.s32 s10, $0x1;
	s10 =	sld [smem:$0x3FAE];
	_ =	sdelay $0x3  }
0x37: {  	[smem:$0x3FAE] =	sst s10  }
0x38: {  	s10 =	sld [smem:$0x3FAF]  }
0x39: {  	_ = 	snop;
	(pc) =	sbr.ind lr, $3  }
0x3a: {  	_ = 	snop  }
0x3b: {  	_ = 	snop  }
0x3c: {  	p2 =	seq.s32 s10, $0x1;
	s10 =	sld [smem:$0x3FAE]  }
0x3d: {  	_ =	shalt  }
0x3e: {  	_ =	shalt  }
0x3f: {  	_ =	shalt  }
0x40: {  	_ =	shalt  }
0x41: {  	_ =	shalt  }
0x42: {  	_ =	shalt  }
0x43: {  	_ =	shalt  }
0x44: {  	_ =	shalt  }
0x45: {  	_ =	shalt  }
0x46: {  	_ =	shalt  }
0x47: {  	_ =	shalt  }
0x48: {  	_ =	shalt  }
0x49: {  	_ =	shalt  }
0x4a: {  	_ =	shalt  }
0x4b: {  	_ =	shalt  }
0x4c: {  	_ =	shalt  }
0x4d: {  	_ =	shalt  }
0x4e: {  	_ =	shalt  }
0x4f: {  	_ =	shalt  }
0x50: {  	_ =	shalt  }
0x51: {  	_ =	shalt  }
0x52: {  	_ =	shalt  }
0x53: {  	_ =	shalt  }
0x54: {  	_ =	shalt  }
0x55: {  	_ =	shalt  }
0x56: {  	_ =	shalt  }
0x57: {  	_ =	shalt  }
0x58: {  	_ =	shalt  }
0x59: {  	_ =	shalt  }
0x5a: {  	_ =	shalt  }
0x5b: {  	_ =	shalt  }
0x5c: {  	_ =	shalt  }
0x5d: {  	_ =	shalt  }
0x5e: {  	_ =	shalt  }
0x5f: {  	_ =	shalt  }
0x60: {  	_ =	shalt  }
0x61: {  	_ =	shalt  }
0x62: {  	_ =	shalt  }
0x63: {  	_ =	shalt  }
0x64: {  	_ =	shalt  }
0x65: {  	_ =	shalt  }
0x66: {  	_ =	shalt  }
0x67: {  	_ =	shalt  }
0x68: {  	_ =	shalt  }
0x69: {  	_ =	shalt  }
0x6a: {  	_ =	shalt  }
0x6b: {  	_ =	shalt  }
0x6c: {  	_ =	shalt  }
0x6d: {  	_ =	shalt  }
0x6e: {  	_ =	shalt  }
0x6f: {  	_ =	shalt  }
0x70: {  	_ =	shalt  }
0x71: {  	_ =	shalt  }
0x72: {  	_ =	shalt  }
0x73: {  	_ =	shalt  }
0x74: {  	_ =	shalt  }
0x75: {  	_ =	shalt  }
0x76: {  	_ =	shalt  }
0x77: {  	_ =	shalt  }
0x78: {  	_ =	shalt  }
0x79: {  	_ =	shalt  }
0x7a: {  	_ =	shalt  }
0x7b: {  	_ =	shalt  }
0x7c: {  	_ =	shalt  }
0x7d: {  	_ =	shalt  }
0x7e: {  	_ =	shalt  }
0x7f: {  	_ =	shalt  }
0x80: {  	_ =	shalt  }
0x81: {  	_ =	shalt  }
0x82: {  	_ =	shalt  }
0x83: {  	_ =	shalt  }
0x84: {  	_ =	shalt  }
0x85: {  	_ =	shalt  }
0x86: {  	_ =	shalt  }
0x87: {  	_ =	shalt  }
.Lfunc_end0:
.L_simem_size_0:
called_computation_lowered:
.L_overlay_start_0:
0x88: {  	s2 =	sld [smem:$0x3FD9]  }
0x89: {  	s3 =	sld [smem:$0x3FFE];
	_ =	sdelay $0x1  }
0x8a: {  	s1 =	srdreg.scid  }
0x8b: {  	s0 =	sand.u32 $0x1, s1  }
0x8c: {  	s16 =	sshll.u32 s0, $0xA;
	s2 =	sadd.s32 s3, s2  }
0x8d: {  	s2 =	sadd.s32 s2, s16  }
0x8e: {  	[smem:$0x3FBA] =	sst s2  }
0x8f: {  	_ = 	snop  }
0x90: {  	(tm) =	ssettm $0x1  }
0x91: {  	s17 =	sld [smem:$0x3FFB];
	_ =	sdelay $0x3  }
0x92: {  	_ =	strace s17  }
0x93: {  	s2 =	sld [smem:$0x3FFC];
	_ =	sdelay $0x3  }
0x94: {  	_ =	strace s2  }
0x95: {  	s2 =	sld [smem:$0x3FFD];
	_ =	sdelay $0x3  }
0x96: {  	_ =	strace s2  }
0x97: {  	_ =	strace $0x8FFFFFFF  }
0x98: {  	s18 =	sld [smem:$0x3FDB];
	_ =	sdelay $0x1  }
0x99: {  	s19 =	simm.s32 $_scs_section_size  }
0x9a: {  	s4 =	simm.s32 $_size__tile_overlayer_lowered;
	s5 =	simm.s32 $_tile_overlayer_lowered  }
0x9b: {  	s22 =	simm.s32 $0x1BFF;
	s21 =	sshll.u32 s5, $0x1;
	s2 =	sadd.s32 s19, s18  }
0x9c: {  	s6 =	simm.s32 $0x0;
	s20 =	sshll.u32 s4, $0x1;
	s4 =	sadd.s32 s21, s2  }
0x9d: {  	[timem:s6], [sflag:s22] =	dma.local [hbm:s4], s20  }
0x9e: {  	_ =	swait.ge [sflag:s22], s20  }
0x9f: {  	s3 =	ssub.s32 $0x0, s20;
	[sflag:s22] =	ssyncset.done $0x0  }
0xa0: {  	[sflag:s22] =	ssyncadd.s32 s3;
	_ =	sdelay $0x1  }
0xa1: {  	s23 =	simm.s32 $0x1B8B  }
0xa2: {  	_ =	swait.ge [sflag:s23], $0x1  }
0xa3: {  	[sflag:s23] =	ssyncset.done $0x0  }
0xa4: {  	s25 =	simm.s32 $0x1B8E;
	s24 =	sld [smem:$0x3FFE];
	[sflag:s23] =	ssyncadd.s32 $0xFFFFFFFF  }
0xa5: {  	s26 =	simm.s32 $execute0_lowered;
	[smem:$0x3FD2] =	sst s25  }
0xa6: {  	s4 =	sshll.u32 s26, $0x1;
	_ =	strace $0x80000046;
	[dreg:$0x1] =	wrdreg $0xFFFFFFFF  }
0xa7: {  	s28 =	simm.s32 $_size_execute0_lowered;
	s2 =	sadd.s32 s2, s4;
	[dreg:$0x0] =	wrdreg $0x0  }
0xa8: {  	s4 =	sshll.u32 s28, $0x1;
	[dreg:$0x2] =	wrdreg s2  }
0xa9: {  	[dreg:$0x3] =	wrdreg s4  }
0xaa: {  	[dreg:$0x4] =	wrdreg $0xC0  }
0xab: {  	_ =	task [dreg:s6], $0x5FFFF  }
0xac: {  	[dreg:$0x1] =	wrdreg $0xFFFFFFFF  }
0xad: {  	[dreg:$0x0] =	wrdreg $0x60  }
0xae: {  	[dreg:$0x2] =	wrdreg s24  }
0xaf: {  	[dreg:$0x3] =	wrdreg $0x9  }
0xb0: {  	_ =	task.clear_ibuf [dreg:s6], $0x4FFFF;
	_ =	strace $0x90000046  }
0xb1: {  	s29 =	simm.s32 $0x9;
	_ =	strace $0x80000048  }
0xb2: {  	_ =	swait.ge [sflag:s29], $0x1  }
0xb3: {  	[sflag:s29] =	ssyncadd.s32 $0xFFFFFFFF  }
0xb4: {  	_ =	strace $0x90000048  }
0xb5: {  	_ =	sfence  }
0xb6: {  	s30 =	sld [smem:$0x0];
	_ =	sdelay $0x2  }
0xb7: {  	s31 =	sshll.u32 s1, $0xD;
	s1 =	sshrl.u32 s1, $0x2  }
0xb8: {  	s3 =	sand.u32 $0x4000, s31;
	s1 =	sadd.s32 s1, s30  }
0xb9: {  	s0 =	sor.u32 s3, s0;
	s1 =	sshll.u32 s1, $0x11  }
0xba: {  	s0 =	sor.u32 s1, s0  }
0xbb: {  	s0 =	sadd.s32 $0x8F2B, s0  }
0xbc: {  	[sflag:s0] =	ssyncadd.remote.s32 $0x1  }
0xbd: {  	_ =	sfence.sel $0xFFFF  }
0xbe: {  	[dreg:$0x0] =	wrdreg $0xFFFFFFFF;
	(pc) =	sbr.abs _section_cstart, $3  }
0xbf: {  	[dreg:$0x1] =	wrdreg $0xFFFFFFFF  }
0xc0: {  	_ =	task.clear_ibuf [dreg:s6], $0x2FFFF;
	_ =	strace $0x9FFFFFFF  }
0xc1: {  	(tm) =	ssettm $0x7FFFFFFF  }
tec
execute0_lowered:
.L_overlay_start_1:
0x0: {  	(tag) =	ssettag $0x1  }
0x1: {  	s1 =	srdreg.scid;
	s0 =	stileid.u32  }
0x2: {  	s4 =	rddreg [dreg:$0x0];
	s2 =	simm.s32 $0x0;
	s10 =	simm.s32 $0x3900  }
0x3: {  	s11 =	simm.s32 $0x5900;
	s12 =	simm.s32 $0x7900;
	s13 =	simm.s32 $0x9900  }
0x4: {  	s14 =	simm.s32 $0xB900;
	s15 =	simm.s32 $0xD900;
	s16 =	simm.s32 $0xF900  }
0x5: {  	s17 =	simm.s32 $0x11900;
	s18 =	simm.s32 $0x13900;
	s19 =	simm.s32 $0x1  }
0x6: {  	s20 =	simm.s32 $0x2;
	s3 =	sand.u32 $0x1, s1;
	s1 =	rddreg [dreg:$0x1]  }
0x7: {  	s21 =	simm.s32 $0x0;
	s30 =	sshll.u32 s0, $0x1;
	[smem:$0x7FF] =	sst s2  }
0x8: {  	s6 =	smul.u32 $0x19000, s0;
	s5 =	sor.u32 s3, s30;
	_ =	strace $0x80000047  }
0x9: {  	s7 =	ssub.s32 $0x2, s3;
	s8 =	smul.u32 $0xC800, s3;
	s3 =	sadd.s32 $0x7E00, s4  }
0xa: {  	s5 =	smul.u32 $0x320, s5;
	s6 =	sadd.s32 s6, s4;
	s9 =	sshrl.u32 s7, $0x1  }
0xb: {  	s31 =	ssub.s32 s7, s9;
	s6 =	sadd.s32 s8, s6;
	s7 =	simm.s32 $0x3  }
0xc: {  	s8 =	simm.s32 $0x80;
	s9 =	simm.s32 $0x1900;
	s4 =	sadd.s32 s5, s4  }
0xd: {  	s5 =	smax.u32 s31, $0x1;
	s6 =	sadd.s32 $0xCB400, s6;
	s4 =	sadd.s32 $0x1A00, s4  }
.LBB2_1:
0xe: {  	[tilespmem:s2], [sflag:$0x3] =	stream.linear.gather [hbm4b:s4+s2], $0x1900, $0x38;
	[tilespmem:$0x15900] =	vst v63  }
0xf: {  	_ =	swait.ge [sflag:s7], $0x1900  }
0x10: {  	[sflag:s7] =	ssyncset.done $0x0  }
0x11: {  	s22 =	simm.s32 $0x0;
	[sflag:s7] =	ssyncadd.s32 $0xFFFFE700  }
0x12: {  	[tilespmem:s9], [sflag:$0x1] =	stream.indirect.gather [hbm4b:s3+s8], $0x40, s22, s8, $0xb8;
	[tilespmem:$0x15900] =	vst v63  }
0x13: {  	s30 =	simm.s32 $0x80  }
0x14: {  	[tilespmem:s10], [sflag:$0x1] =	stream.indirect.gather [hbm4b:s3+s8], $0x40, s30, s8, $0xb8;
	[tilespmem:$0x15900] =	vst v63  }
0x15: {  	s31 =	simm.s32 $0x100  }
0x16: {  	[tilespmem:s11], [sflag:$0x1] =	stream.indirect.gather [hbm4b:s3+s8], $0x40, s31, s8, $0xb8;
	[tilespmem:$0x15900] =	vst v63  }
0x17: {  	s23 =	simm.s32 $0x180  }
0x18: {  	[tilespmem:s12], [sflag:$0x1] =	stream.indirect.gather [hbm4b:s3+s8], $0x40, s23, s8, $0xb8;
	[tilespmem:$0x15900] =	vst v63  }
0x19: {  	s24 =	simm.s32 $0x200  }
0x1a: {  	[tilespmem:s13], [sflag:$0x1] =	stream.indirect.gather [hbm4b:s3+s8], $0x40, s24, s8, $0xb8;
	[tilespmem:$0x15900] =	vst v63  }
0x1b: {  	s25 =	simm.s32 $0x280  }
0x1c: {  	[tilespmem:s14], [sflag:$0x1] =	stream.indirect.gather [hbm4b:s3+s8], $0x40, s25, s8, $0xb8;
	[tilespmem:$0x15900] =	vst v63  }
0x1d: {  	s26 =	simm.s32 $0x300  }
0x1e: {  	[tilespmem:s15], [sflag:$0x1] =	stream.indirect.gather [hbm4b:s3+s8], $0x40, s26, s8, $0xb8;
	[tilespmem:$0x15900] =	vst v63  }
0x1f: {  	s28 =	simm.s32 $0x380  }
0x20: {  	[tilespmem:s16], [sflag:$0x1] =	stream.indirect.gather [hbm4b:s3+s8], $0x40, s28, s8, $0xb8;
	[tilespmem:$0x15900] =	vst v63  }
0x21: {  	s29 =	simm.s32 $0x400  }
0x22: {  	[tilespmem:s17], [sflag:$0x1] =	stream.indirect.gather [hbm4b:s3+s8], $0x40, s29, s8, $0xb8;
	[tilespmem:$0x15900] =	vst v63  }
0x23: {  	s30 =	simm.s32 $0x480  }
0x24: {  	[tilespmem:s18], [sflag:$0x1] =	stream.indirect.gather [hbm4b:s3+s8], $0x40, s30, s8, $0xb8;
	[tilespmem:$0x15900] =	vst v63  }
0x25: {  	_ =	swait.ge [sflag:s19], $0x2000  }
0x26: {  	[sflag:s19] =	ssyncset.done $0x0  }
0x27: {  	[sflag:s19] =	ssyncadd.s32 $0xFFFFE000  }
0x28: {  	_ =	swait.ge [sflag:s19], $0x2000  }
0x29: {  	[sflag:s19] =	ssyncset.done $0x0  }
0x2a: {  	[sflag:s19] =	ssyncadd.s32 $0xFFFFE000  }
0x2b: {  	_ =	swait.ge [sflag:s19], $0x2000  }
0x2c: {  	[sflag:s19] =	ssyncset.done $0x0  }
0x2d: {  	[sflag:s19] =	ssyncadd.s32 $0xFFFFE000  }
0x2e: {  	_ =	swait.ge [sflag:s19], $0x2000  }
0x2f: {  	[sflag:s19] =	ssyncset.done $0x0  }
0x30: {  	[sflag:s19] =	ssyncadd.s32 $0xFFFFE000  }
0x31: {  	_ =	swait.ge [sflag:s19], $0x2000  }
0x32: {  	[sflag:s19] =	ssyncset.done $0x0  }
0x33: {  	[sflag:s19] =	ssyncadd.s32 $0xFFFFE000  }
0x34: {  	_ =	swait.ge [sflag:s19], $0x2000  }
0x35: {  	[sflag:s19] =	ssyncset.done $0x0  }
0x36: {  	[sflag:s19] =	ssyncadd.s32 $0xFFFFE000  }
0x37: {  	_ =	swait.ge [sflag:s19], $0x2000  }
0x38: {  	[sflag:s19] =	ssyncset.done $0x0  }
0x39: {  	[sflag:s19] =	ssyncadd.s32 $0xFFFFE000  }
0x3a: {  	_ =	swait.ge [sflag:s19], $0x2000  }
0x3b: {  	[sflag:s19] =	ssyncset.done $0x0  }
0x3c: {  	[sflag:s19] =	ssyncadd.s32 $0xFFFFE000  }
0x3d: {  	_ =	swait.ge [sflag:s19], $0x2000  }
0x3e: {  	[sflag:s19] =	ssyncset.done $0x0  }
0x3f: {  	[sflag:s19] =	ssyncadd.s32 $0xFFFFE000  }
0x40: {  	_ =	swait.ge [sflag:s19], $0x2000  }
0x41: {  	[sflag:s19] =	ssyncset.done $0x0  }
0x42: {  	[sflag:s19] =	ssyncadd.s32 $0xFFFFE000  }
0x43: {  	[hbm4b:s6+s2] =	stream.linear.scatter [tilespmem:s9], [sflag:$0x2], $0x2000, $0x38;
	[tilespmem:$0x15900] =	vst v63  }
0x44: {  	s31 =	sadd.s32 $0x400, s6  }
0x45: {  	[hbm4b:s31+s2] =	stream.linear.scatter [tilespmem:s10], [sflag:$0x2], $0x2000, $0x38;
	[tilespmem:$0x15900] =	vst v63  }
0x46: {  	s23 =	sadd.s32 $0x800, s6  }
0x47: {  	[hbm4b:s23+s2] =	stream.linear.scatter [tilespmem:s11], [sflag:$0x2], $0x2000, $0x38;
	[tilespmem:$0x15900] =	vst v63  }
0x48: {  	s24 =	sadd.s32 $0xC00, s6  }
0x49: {  	[hbm4b:s24+s2] =	stream.linear.scatter [tilespmem:s12], [sflag:$0x2], $0x2000, $0x38;
	[tilespmem:$0x15900] =	vst v63  }
0x4a: {  	s25 =	sadd.s32 $0x1000, s6  }
0x4b: {  	[hbm4b:s25+s2] =	stream.linear.scatter [tilespmem:s13], [sflag:$0x2], $0x2000, $0x38;
	[tilespmem:$0x15900] =	vst v63  }
0x4c: {  	s26 =	sadd.s32 $0x1400, s6  }
0x4d: {  	[hbm4b:s26+s2] =	stream.linear.scatter [tilespmem:s14], [sflag:$0x2], $0x2000, $0x38;
	[tilespmem:$0x15900] =	vst v63  }
0x4e: {  	s28 =	sadd.s32 $0x1800, s6  }
0x4f: {  	[hbm4b:s28+s2] =	stream.linear.scatter [tilespmem:s15], [sflag:$0x2], $0x2000, $0x38;
	[tilespmem:$0x15900] =	vst v63  }
0x50: {  	s29 =	sadd.s32 $0x1C00, s6  }
0x51: {  	[hbm4b:s29+s2] =	stream.linear.scatter [tilespmem:s16], [sflag:$0x2], $0x2000, $0x38;
	[tilespmem:$0x15900] =	vst v63  }
0x52: {  	s30 =	sadd.s32 $0x2000, s6  }
0x53: {  	[hbm4b:s30+s2] =	stream.linear.scatter [tilespmem:s17], [sflag:$0x2], $0x2000, $0x38;
	[tilespmem:$0x15900] =	vst v63  }
0x54: {  	s31 =	sadd.s32 $0x2400, s6  }
0x55: {  	[hbm4b:s31+s2] =	stream.linear.scatter [tilespmem:s18], [sflag:$0x2], $0x2000, $0x38;
	[tilespmem:$0x15900] =	vst v63  }
0x56: {  	_ =	swait.ge [sflag:s20], $0x2000  }
0x57: {  	[sflag:s20] =	ssyncset.done $0x0  }
0x58: {  	[sflag:s20] =	ssyncadd.s32 $0xFFFFE000  }
0x59: {  	_ =	swait.ge [sflag:s20], $0x2000  }
0x5a: {  	[sflag:s20] =	ssyncset.done $0x0  }
0x5b: {  	[sflag:s20] =	ssyncadd.s32 $0xFFFFE000  }
0x5c: {  	_ =	swait.ge [sflag:s20], $0x2000  }
0x5d: {  	[sflag:s20] =	ssyncset.done $0x0  }
0x5e: {  	[sflag:s20] =	ssyncadd.s32 $0xFFFFE000  }
0x5f: {  	_ =	swait.ge [sflag:s20], $0x2000  }
0x60: {  	[sflag:s20] =	ssyncset.done $0x0  }
0x61: {  	[sflag:s20] =	ssyncadd.s32 $0xFFFFE000  }
0x62: {  	_ =	swait.ge [sflag:s20], $0x2000  }
0x63: {  	[sflag:s20] =	ssyncset.done $0x0  }
0x64: {  	[sflag:s20] =	ssyncadd.s32 $0xFFFFE000  }
0x65: {  	_ =	swait.ge [sflag:s20], $0x2000  }
0x66: {  	[sflag:s20] =	ssyncset.done $0x0  }
0x67: {  	[sflag:s20] =	ssyncadd.s32 $0xFFFFE000  }
0x68: {  	_ =	swait.ge [sflag:s20], $0x2000  }
0x69: {  	[sflag:s20] =	ssyncset.done $0x0  }
0x6a: {  	[sflag:s20] =	ssyncadd.s32 $0xFFFFE000  }
0x6b: {  	_ =	swait.ge [sflag:s20], $0x2000  }
0x6c: {  	[sflag:s20] =	ssyncset.done $0x0  }
0x6d: {  	[sflag:s20] =	ssyncadd.s32 $0xFFFFE000  }
0x6e: {  	_ =	swait.ge [sflag:s20], $0x2000  }
0x6f: {  	[sflag:s20] =	ssyncset.done $0x0  }
0x70: {  	[sflag:s20] =	ssyncadd.s32 $0xFFFFE000  }
0x71: {  	s22 =	sadd.s32 $0x2800, s6;
	_ =	swait.ge [sflag:s20], $0x2000  }
0x72: {  	s23 =	simm.s32 $0x1400;
	s25 =	simm.s32 $0x2800;
	[sflag:s20] =	ssyncset.done $0x0  }
.LBB2_2:
0x73: {  	s26 =	sshra.s32 s23, $0x2  }
0x74: {  	[sflag:s20] =	ssyncadd.s32 $0xFFFFE000;
	s23 =	smov.u32 s25;
	s24 =	sadd.s32 $0x1400, s25  }
0x75: {  	[tilespmem:s9], [sflag:$0x1] =	stream.indirect.gather [hbm4b:s3+s8], $0x40, s26, s8, $0xb8;
	[tilespmem:$0x15900] =	vst v63  }
0x76: {  	p0 =	sne.s32 s25, $0x5000;
	s25 =	sadd.s32 $0x80, s26  }
0x77: {  	[tilespmem:s10], [sflag:$0x1] =	stream.indirect.gather [hbm4b:s3+s8], $0x40, s25, s8, $0xb8;
	[tilespmem:$0x15900] =	vst v63  }
0x78: {  	s25 =	sadd.s32 $0x100, s26  }
0x79: {  	[tilespmem:s11], [sflag:$0x1] =	stream.indirect.gather [hbm4b:s3+s8], $0x40, s25, s8, $0xb8;
	[tilespmem:$0x15900] =	vst v63  }
0x7a: {  	s25 =	sadd.s32 $0x180, s26  }
0x7b: {  	[tilespmem:s12], [sflag:$0x1] =	stream.indirect.gather [hbm4b:s3+s8], $0x40, s25, s8, $0xb8;
	[tilespmem:$0x15900] =	vst v63  }
0x7c: {  	s25 =	sadd.s32 $0x200, s26  }
0x7d: {  	[tilespmem:s13], [sflag:$0x1] =	stream.indirect.gather [hbm4b:s3+s8], $0x40, s25, s8, $0xb8;
	[tilespmem:$0x15900] =	vst v63  }
0x7e: {  	s25 =	sadd.s32 $0x280, s26  }
0x7f: {  	[tilespmem:s14], [sflag:$0x1] =	stream.indirect.gather [hbm4b:s3+s8], $0x40, s25, s8, $0xb8;
	[tilespmem:$0x15900] =	vst v63  }
0x80: {  	s25 =	sadd.s32 $0x300, s26  }
0x81: {  	[tilespmem:s15], [sflag:$0x1] =	stream.indirect.gather [hbm4b:s3+s8], $0x40, s25, s8, $0xb8;
	[tilespmem:$0x15900] =	vst v63  }
0x82: {  	s25 =	sadd.s32 $0x380, s26  }
0x83: {  	[tilespmem:s16], [sflag:$0x1] =	stream.indirect.gather [hbm4b:s3+s8], $0x40, s25, s8, $0xb8;
	[tilespmem:$0x15900] =	vst v63  }
0x84: {  	s25 =	sadd.s32 $0x400, s26  }
0x85: {  	[tilespmem:s17], [sflag:$0x1] =	stream.indirect.gather [hbm4b:s3+s8], $0x40, s25, s8, $0xb8;
	[tilespmem:$0x15900] =	vst v63  }
0x86: {  	s25 =	sadd.s32 $0x480, s26  }
0x87: {  	[tilespmem:s18], [sflag:$0x1] =	stream.indirect.gather [hbm4b:s3+s8], $0x40, s25, s8, $0xb8;
	[tilespmem:$0x15900] =	vst v63  }
0x88: {  	_ =	swait.ge [sflag:s19], $0x2000  }
0x89: {  	[sflag:s19] =	ssyncset.done $0x0  }
0x8a: {  	[sflag:s19] =	ssyncadd.s32 $0xFFFFE000  }
0x8b: {  	_ =	swait.ge [sflag:s19], $0x2000  }
0x8c: {  	[sflag:s19] =	ssyncset.done $0x0  }
0x8d: {  	[sflag:s19] =	ssyncadd.s32 $0xFFFFE000  }
0x8e: {  	_ =	swait.ge [sflag:s19], $0x2000  }
0x8f: {  	[sflag:s19] =	ssyncset.done $0x0  }
0x90: {  	[sflag:s19] =	ssyncadd.s32 $0xFFFFE000  }
0x91: {  	_ =	swait.ge [sflag:s19], $0x2000  }
0x92: {  	[sflag:s19] =	ssyncset.done $0x0  }
0x93: {  	[sflag:s19] =	ssyncadd.s32 $0xFFFFE000  }
0x94: {  	_ =	swait.ge [sflag:s19], $0x2000  }
0x95: {  	[sflag:s19] =	ssyncset.done $0x0  }
0x96: {  	[sflag:s19] =	ssyncadd.s32 $0xFFFFE000  }
0x97: {  	_ =	swait.ge [sflag:s19], $0x2000  }
0x98: {  	[sflag:s19] =	ssyncset.done $0x0  }
0x99: {  	[sflag:s19] =	ssyncadd.s32 $0xFFFFE000  }
0x9a: {  	_ =	swait.ge [sflag:s19], $0x2000  }
0x9b: {  	[sflag:s19] =	ssyncset.done $0x0  }
0x9c: {  	[sflag:s19] =	ssyncadd.s32 $0xFFFFE000  }
0x9d: {  	_ =	swait.ge [sflag:s19], $0x2000  }
0x9e: {  	[sflag:s19] =	ssyncset.done $0x0  }
0x9f: {  	[sflag:s19] =	ssyncadd.s32 $0xFFFFE000  }
0xa0: {  	_ =	swait.ge [sflag:s19], $0x2000  }
0xa1: {  	[sflag:s19] =	ssyncset.done $0x0  }
0xa2: {  	[sflag:s19] =	ssyncadd.s32 $0xFFFFE000  }
0xa3: {  	_ =	swait.ge [sflag:s19], $0x2000  }
0xa4: {  	[sflag:s19] =	ssyncset.done $0x0  }
0xa5: {  	[sflag:s19] =	ssyncadd.s32 $0xFFFFE000  }
0xa6: {  	[hbm4b:s22+s2] =	stream.linear.scatter [tilespmem:s9], [sflag:$0x2], $0x2000, $0x38;
	[tilespmem:$0x15900] =	vst v63  }
0xa7: {  	s25 =	sadd.s32 $0x400, s22  }
0xa8: {  	[hbm4b:s25+s2] =	stream.linear.scatter [tilespmem:s10], [sflag:$0x2], $0x2000, $0x38;
	[tilespmem:$0x15900] =	vst v63  }
0xa9: {  	s25 =	sadd.s32 $0x800, s22  }
0xaa: {  	[hbm4b:s25+s2] =	stream.linear.scatter [tilespmem:s11], [sflag:$0x2], $0x2000, $0x38;
	[tilespmem:$0x15900] =	vst v63  }
0xab: {  	s25 =	sadd.s32 $0xC00, s22  }
0xac: {  	[hbm4b:s25+s2] =	stream.linear.scatter [tilespmem:s12], [sflag:$0x2], $0x2000, $0x38;
	[tilespmem:$0x15900] =	vst v63  }
0xad: {  	s25 =	sadd.s32 $0x1000, s22  }
0xae: {  	[hbm4b:s25+s2] =	stream.linear.scatter [tilespmem:s13], [sflag:$0x2], $0x2000, $0x38;
	[tilespmem:$0x15900] =	vst v63  }
0xaf: {  	s25 =	sadd.s32 $0x1400, s22  }
0xb0: {  	[hbm4b:s25+s2] =	stream.linear.scatter [tilespmem:s14], [sflag:$0x2], $0x2000, $0x38;
	[tilespmem:$0x15900] =	vst v63  }
0xb1: {  	s25 =	sadd.s32 $0x1800, s22  }
0xb2: {  	[hbm4b:s25+s2] =	stream.linear.scatter [tilespmem:s15], [sflag:$0x2], $0x2000, $0x38;
	[tilespmem:$0x15900] =	vst v63  }
0xb3: {  	s25 =	sadd.s32 $0x1C00, s22  }
0xb4: {  	[hbm4b:s25+s2] =	stream.linear.scatter [tilespmem:s16], [sflag:$0x2], $0x2000, $0x38;
	[tilespmem:$0x15900] =	vst v63  }
0xb5: {  	s25 =	sadd.s32 $0x2000, s22  }
0xb6: {  	[hbm4b:s25+s2] =	stream.linear.scatter [tilespmem:s17], [sflag:$0x2], $0x2000, $0x38;
	[tilespmem:$0x15900] =	vst v63  }
0xb7: {  	s25 =	sadd.s32 $0x2400, s22  }
0xb8: {  	[hbm4b:s25+s2] =	stream.linear.scatter [tilespmem:s18], [sflag:$0x2], $0x2000, $0x38;
	[tilespmem:$0x15900] =	vst v63  }
0xb9: {  	_ =	swait.ge [sflag:s20], $0x2000  }
0xba: {  	[sflag:s20] =	ssyncset.done $0x0  }
0xbb: {  	[sflag:s20] =	ssyncadd.s32 $0xFFFFE000  }
0xbc: {  	_ =	swait.ge [sflag:s20], $0x2000  }
0xbd: {  	[sflag:s20] =	ssyncset.done $0x0  }
0xbe: {  	[sflag:s20] =	ssyncadd.s32 $0xFFFFE000  }
0xbf: {  	_ =	swait.ge [sflag:s20], $0x2000  }
0xc0: {  	[sflag:s20] =	ssyncset.done $0x0  }
0xc1: {  	[sflag:s20] =	ssyncadd.s32 $0xFFFFE000  }
0xc2: {  	_ =	swait.ge [sflag:s20], $0x2000  }
0xc3: {  	[sflag:s20] =	ssyncset.done $0x0  }
0xc4: {  	[sflag:s20] =	ssyncadd.s32 $0xFFFFE000  }
0xc5: {  	_ =	swait.ge [sflag:s20], $0x2000  }
0xc6: {  	[sflag:s20] =	ssyncset.done $0x0  }
0xc7: {  	[sflag:s20] =	ssyncadd.s32 $0xFFFFE000  }
0xc8: {  	_ =	swait.ge [sflag:s20], $0x2000  }
0xc9: {  	[sflag:s20] =	ssyncset.done $0x0  }
0xca: {  	[sflag:s20] =	ssyncadd.s32 $0xFFFFE000  }
0xcb: {  	_ =	swait.ge [sflag:s20], $0x2000  }
0xcc: {  	[sflag:s20] =	ssyncset.done $0x0  }
0xcd: {  	[sflag:s20] =	ssyncadd.s32 $0xFFFFE000  }
0xce: {  	_ =	swait.ge [sflag:s20], $0x2000  }
0xcf: {  	[sflag:s20] =	ssyncset.done $0x0  }
0xd0: {  	[sflag:s20] =	ssyncadd.s32 $0xFFFFE000  }
.Ltmp0:
0xd1: {  	_ =	swait.ge [sflag:s20], $0x2000;
	(pc) =	sbr.rel @p0 .LBB2_2-.Ltmp0, $4  }
0xd2: {  	[sflag:s20] =	ssyncset.done $0x0  }
0xd3: {  	[sflag:s20] =	ssyncadd.s32 $0xFFFFE000  }
0xd4: {  	_ =	swait.ge [sflag:s20], $0x2000  }
0xd5: {  	s22 =	sadd.s32 $0x2800, s22;
	s25 =	smov.u32 s24;
	[sflag:s20] =	ssyncset.done $0x0  }
0xd6: {  	s23 =	sshra.s32 s23, $0x2;
	[sflag:s20] =	ssyncadd.s32 $0xFFFFE000  }
0xd7: {  	[tilespmem:s9], [sflag:$0x1] =	stream.indirect.gather [hbm4b:s3+s8], $0x40, s23, s8, $0xb8;
	[tilespmem:$0x15900] =	vst v63  }
0xd8: {  	s24 =	sadd.s32 $0x80, s23  }
0xd9: {  	[tilespmem:s10], [sflag:$0x1] =	stream.indirect.gather [hbm4b:s3+s8], $0x40, s24, s8, $0xb8;
	[tilespmem:$0x15900] =	vst v63  }
0xda: {  	s29 =	sadd.s32 $0x100, s23  }
0xdb: {  	[tilespmem:s11], [sflag:$0x1] =	stream.indirect.gather [hbm4b:s3+s8], $0x40, s29, s8, $0xb8;
	[tilespmem:$0x15900] =	vst v63  }
0xdc: {  	s30 =	sadd.s32 $0x180, s23  }
0xdd: {  	[tilespmem:s12], [sflag:$0x1] =	stream.indirect.gather [hbm4b:s3+s8], $0x40, s30, s8, $0xb8;
	[tilespmem:$0x15900] =	vst v63  }
0xde: {  	s31 =	sadd.s32 $0x200, s23  }
0xdf: {  	[tilespmem:s13], [sflag:$0x1] =	stream.indirect.gather [hbm4b:s3+s8], $0x40, s31, s8, $0xb8;
	[tilespmem:$0x15900] =	vst v63  }
0xe0: {  	s25 =	sadd.s32 $0x280, s23  }
0xe1: {  	[tilespmem:s14], [sflag:$0x1] =	stream.indirect.gather [hbm4b:s3+s8], $0x40, s25, s8, $0xb8;
	[tilespmem:$0x15900] =	vst v63  }
0xe2: {  	s26 =	sadd.s32 $0x300, s23  }
0xe3: {  	[tilespmem:s15], [sflag:$0x1] =	stream.indirect.gather [hbm4b:s3+s8], $0x40, s26, s8, $0xb8;
	[tilespmem:$0x15900] =	vst v63  }
0xe4: {  	s28 =	sadd.s32 $0x380, s23  }
0xe5: {  	[tilespmem:s16], [sflag:$0x1] =	stream.indirect.gather [hbm4b:s3+s8], $0x40, s28, s8, $0xb8;
	[tilespmem:$0x15900] =	vst v63  }
0xe6: {  	s29 =	sadd.s32 $0x400, s23  }
0xe7: {  	[tilespmem:s17], [sflag:$0x1] =	stream.indirect.gather [hbm4b:s3+s8], $0x40, s29, s8, $0xb8;
	[tilespmem:$0x15900] =	vst v63  }
0xe8: {  	s23 =	sadd.s32 $0x480, s23  }
0xe9: {  	[tilespmem:s18], [sflag:$0x1] =	stream.indirect.gather [hbm4b:s3+s8], $0x40, s23, s8, $0xb8;
	[tilespmem:$0x15900] =	vst v63  }
0xea: {  	_ =	swait.ge [sflag:s19], $0x2000  }
0xeb: {  	[sflag:s19] =	ssyncset.done $0x0  }
0xec: {  	[sflag:s19] =	ssyncadd.s32 $0xFFFFE000  }
0xed: {  	_ =	swait.ge [sflag:s19], $0x2000  }
0xee: {  	[sflag:s19] =	ssyncset.done $0x0  }
0xef: {  	[sflag:s19] =	ssyncadd.s32 $0xFFFFE000  }
0xf0: {  	_ =	swait.ge [sflag:s19], $0x2000  }
0xf1: {  	[sflag:s19] =	ssyncset.done $0x0  }
0xf2: {  	[sflag:s19] =	ssyncadd.s32 $0xFFFFE000  }
0xf3: {  	_ =	swait.ge [sflag:s19], $0x2000  }
0xf4: {  	[sflag:s19] =	ssyncset.done $0x0  }
0xf5: {  	[sflag:s19] =	ssyncadd.s32 $0xFFFFE000  }
0xf6: {  	_ =	swait.ge [sflag:s19], $0x2000  }
0xf7: {  	[sflag:s19] =	ssyncset.done $0x0  }
0xf8: {  	[sflag:s19] =	ssyncadd.s32 $0xFFFFE000  }
0xf9: {  	_ =	swait.ge [sflag:s19], $0x2000  }
0xfa: {  	[sflag:s19] =	ssyncset.done $0x0  }
0xfb: {  	[sflag:s19] =	ssyncadd.s32 $0xFFFFE000  }
0xfc: {  	_ =	swait.ge [sflag:s19], $0x2000  }
0xfd: {  	[sflag:s19] =	ssyncset.done $0x0  }
0xfe: {  	[sflag:s19] =	ssyncadd.s32 $0xFFFFE000  }
0xff: {  	_ =	swait.ge [sflag:s19], $0x2000  }
0x100: {  	[sflag:s19] =	ssyncset.done $0x0  }
0x101: {  	[sflag:s19] =	ssyncadd.s32 $0xFFFFE000  }
0x102: {  	_ =	swait.ge [sflag:s19], $0x2000  }
0x103: {  	[sflag:s19] =	ssyncset.done $0x0  }
0x104: {  	[sflag:s19] =	ssyncadd.s32 $0xFFFFE000  }
0x105: {  	_ =	swait.ge [sflag:s19], $0x2000  }
0x106: {  	[sflag:s19] =	ssyncset.done $0x0  }
0x107: {  	[sflag:s19] =	ssyncadd.s32 $0xFFFFE000  }
0x108: {  	[hbm4b:s22+s2] =	stream.linear.scatter [tilespmem:s9], [sflag:$0x2], $0x2000, $0x38;
	[tilespmem:$0x15900] =	vst v63  }
0x109: {  	s30 =	sadd.s32 $0x400, s22  }
0x10a: {  	[hbm4b:s30+s2] =	stream.linear.scatter [tilespmem:s10], [sflag:$0x2], $0x2000, $0x38;
	[tilespmem:$0x15900] =	vst v63  }
0x10b: {  	s31 =	sadd.s32 $0x800, s22  }
0x10c: {  	[hbm4b:s31+s2] =	stream.linear.scatter [tilespmem:s11], [sflag:$0x2], $0x2000, $0x38;
	[tilespmem:$0x15900] =	vst v63  }
0x10d: {  	s24 =	sadd.s32 $0xC00, s22  }
0x10e: {  	[hbm4b:s24+s2] =	stream.linear.scatter [tilespmem:s12], [sflag:$0x2], $0x2000, $0x38;
	[tilespmem:$0x15900] =	vst v63  }
0x10f: {  	s25 =	sadd.s32 $0x1000, s22  }
0x110: {  	[hbm4b:s25+s2] =	stream.linear.scatter [tilespmem:s13], [sflag:$0x2], $0x2000, $0x38;
	[tilespmem:$0x15900] =	vst v63  }
0x111: {  	s26 =	sadd.s32 $0x1400, s22  }
0x112: {  	[hbm4b:s26+s2] =	stream.linear.scatter [tilespmem:s14], [sflag:$0x2], $0x2000, $0x38;
	[tilespmem:$0x15900] =	vst v63  }
0x113: {  	s28 =	sadd.s32 $0x1800, s22  }
0x114: {  	[hbm4b:s28+s2] =	stream.linear.scatter [tilespmem:s15], [sflag:$0x2], $0x2000, $0x38;
	[tilespmem:$0x15900] =	vst v63  }
0x115: {  	s29 =	sadd.s32 $0x1C00, s22  }
0x116: {  	[hbm4b:s29+s2] =	stream.linear.scatter [tilespmem:s16], [sflag:$0x2], $0x2000, $0x38;
	[tilespmem:$0x15900] =	vst v63  }
0x117: {  	s30 =	sadd.s32 $0x2000, s22  }
0x118: {  	[hbm4b:s30+s2] =	stream.linear.scatter [tilespmem:s17], [sflag:$0x2], $0x2000, $0x38;
	[tilespmem:$0x15900] =	vst v63  }
0x119: {  	s31 =	sadd.s32 $0x2400, s22  }
0x11a: {  	[hbm4b:s31+s2] =	stream.linear.scatter [tilespmem:s18], [sflag:$0x2], $0x2000, $0x38;
	[tilespmem:$0x15900] =	vst v63  }
0x11b: {  	_ =	swait.ge [sflag:s20], $0x2000  }
0x11c: {  	[sflag:s20] =	ssyncset.done $0x0  }
0x11d: {  	[sflag:s20] =	ssyncadd.s32 $0xFFFFE000  }
0x11e: {  	_ =	swait.ge [sflag:s20], $0x2000  }
0x11f: {  	[sflag:s20] =	ssyncset.done $0x0  }
0x120: {  	[sflag:s20] =	ssyncadd.s32 $0xFFFFE000  }
0x121: {  	_ =	swait.ge [sflag:s20], $0x2000  }
0x122: {  	[sflag:s20] =	ssyncset.done $0x0  }
0x123: {  	[sflag:s20] =	ssyncadd.s32 $0xFFFFE000  }
0x124: {  	_ =	swait.ge [sflag:s20], $0x2000  }
0x125: {  	[sflag:s20] =	ssyncset.done $0x0  }
0x126: {  	[sflag:s20] =	ssyncadd.s32 $0xFFFFE000  }
0x127: {  	_ =	swait.ge [sflag:s20], $0x2000  }
0x128: {  	[sflag:s20] =	ssyncset.done $0x0  }
0x129: {  	[sflag:s20] =	ssyncadd.s32 $0xFFFFE000  }
0x12a: {  	_ =	swait.ge [sflag:s20], $0x2000  }
0x12b: {  	[sflag:s20] =	ssyncset.done $0x0  }
0x12c: {  	[sflag:s20] =	ssyncadd.s32 $0xFFFFE000  }
0x12d: {  	_ =	swait.ge [sflag:s20], $0x2000  }
0x12e: {  	[sflag:s20] =	ssyncset.done $0x0  }
0x12f: {  	[sflag:s20] =	ssyncadd.s32 $0xFFFFE000  }
0x130: {  	_ =	swait.ge [sflag:s20], $0x2000  }
0x131: {  	[sflag:s20] =	ssyncset.done $0x0  }
0x132: {  	s21 =	sadd.s32 $0x1, s21;
	[sflag:s20] =	ssyncadd.s32 $0xFFFFE000  }
0x133: {  	p0 =	sne.s32 s21, s5;
	_ =	swait.ge [sflag:s20], $0x2000  }
.Ltmp1:
0x134: {  	[sflag:s20] =	ssyncset.done $0x0;
	(pc) =	sbr.rel @p0 .LBB2_1-.Ltmp1, $4  }
0x135: {  	[sflag:s20] =	ssyncadd.s32 $0xFFFFE000  }
0x136: {  	_ =	swait.ge [sflag:s20], $0x2000  }
0x137: {  	[sflag:s20] =	ssyncset.done $0x0  }
0x138: {  	[sflag:s20] =	ssyncadd.s32 $0xFFFFE000  }
0x139: {  	_ =	sfence.sel $0x180000  }
0x13a: {  	[bflag:$0x0] =	sbarrier.arrive $0xFFFF  }
0x13b: {  	p0 =	sne.s32 s0, $0x0;
	_ =	strace $0x90000047  }
0x13c: {  	s0 =	sadd.s32 @!p0 $0x100000, s1;
	[bflag:$0x2] =	sbarrier.arrive $0xFFFF  }
0x13d: {  	[sflag:s0] =	ssyncadd.tile.s32 @!p0 $0x1;
	_ =	shalt  }
.Lfunc_end2:
_tile_overlayer_lowered:
.L_overlay_start_2:
0x13e: {  	(tag) =	ssettag $0x2  }
0x13f: {  	s0 =	rddreg [dreg:$0x0];
	s2 =	stileid.u32  }
0x140: {  	s1 =	rddreg [dreg:$0x1];
	p0 =	sne.s32 s2, $0x0  }
0x141: {  	s3 =	rddreg [dreg:$0x2];
	[bflag:$0x3] =	sbarrier.arrive $0xFFFF;
	s2 =	simm.s32 @!p0 $0x1C03  }
0x142: {  	[timem:s3], [sflag:s2] =	dma.local @!p0 [hbm:s0], s1  }
0x143: {  	s0 =	simm.s32 @!p0 $0x3  }
0x144: {  	_ =	swait.ge @!p0 [sflag:s0], s1  }
0x145: {  	s1 =	ssub.s32 @!p0 $0x0, s1;
	[sflag:s0] =	ssyncset.done @!p0 $0x0  }
0x146: {  	[sflag:s0] =	ssyncadd.s32 @!p0 s1  }
0x147: {  	[bflag:$0x3] =	sbarrier.arrive $0xFFFF  }
0x148: {  	_ =	shalt  }

</sc_bundles>
